<compile_context>
chip_gen: v7x
topology: tpu7x:2x2x1
jax: 0.10.2.dev20260603
libtpu: 0.0.44.dev20260713+nightly
codegen_flags: <defaults>
</compile_context>

<pallas_src>
import functools

import jax
import jax.numpy as jnp
from jax import lax
from jax.experimental import pallas as pl
from jax.experimental.pallas import tpu as pltpu
from jax.experimental.pallas import tpu_sc as plsc

N = 32768
K = 1024
D = 64
R = 2048
NBLK = N // R

NC = 2
NS = 16
NW = NC * NS
BPW = N // NW
CH = 128
NCH = BPW // CH

_SCALE = (1.0 + 0.25) / float(N * D)


def _tc_body(x_ref, e_ref, idx_ref, loss_ref, e2_ref, b2_ref, ks_ref):
    i = pl.program_id(0)

    @pl.when(i == 0)
    def _once():
        e = e_ref[...]
        e2_ref[...] = -2.0 * e
        b2_ref[...] = jnp.sum(e * e, axis=1, keepdims=True)
        ks_ref[...] = lax.broadcasted_iota(
            jnp.int32, (K, 1), 0).astype(jnp.float32)
        loss_ref[...] = jnp.zeros((1, 1), jnp.float32)

    x = x_ref[...]
    a2 = jnp.sum(x * x, axis=1, keepdims=True)
    a2r = lax.transpose(a2, (1, 0))
    KC = 16
    mm2 = lax.dot_general(e2_ref[...], x, (((1,), (1,)), ((), ())),
                          preferred_element_type=jnp.float32)
    run_min = None
    run_idx = None
    for c in range(K // KC):
        b2c = b2_ref[pl.ds(c * KC, KC), :]
        ksc = ks_ref[pl.ds(c * KC, KC), :]
        s = (a2r + b2c) + mm2[c * KC:(c + 1) * KC, :]
        if run_min is None:
            run_min = s
            run_idx = jnp.broadcast_to(ksc, (KC, R))
        else:
            m = s < run_min
            run_min = jnp.minimum(s, run_min)
            run_idx = jnp.where(m, ksc, run_idx)
    mins = jnp.min(run_min, axis=0, keepdims=True)
    idx_f = jnp.min(jnp.where(run_min == mins, run_idx, float(K)), axis=0)
    idx_ref[...] = idx_f.astype(jnp.int32).reshape(R // BPW, NCH, CH)

    loss_ref[...] += jnp.sum(mins, axis=1, keepdims=True)

    @pl.when(i == NBLK - 1)
    def _finish():
        loss_ref[...] = loss_ref[...] * _SCALE


def _tc_quantize(flat, embeddings, interpret=False):
    return pl.pallas_call(
        _tc_body,
        grid=(NBLK,),
        in_specs=[
            pl.BlockSpec((R, D), lambda i: (i, 0)),
            pl.BlockSpec((K, D), lambda i: (0, 0)),
        ],
        out_specs=[
            pl.BlockSpec((R // 1024, NCH, CH), lambda i: (i, 0, 0)),
            pl.BlockSpec((1, 1), lambda i: (0, 0)),
        ],
        out_shape=[
            jax.ShapeDtypeStruct((NW, NCH, CH), jnp.int32),
            jax.ShapeDtypeStruct((1, 1), jnp.float32),
        ],
        scratch_shapes=[pltpu.VMEM((K, D), jnp.float32),
                        pltpu.VMEM((K, 1), jnp.float32),
                        pltpu.VMEM((K, 1), jnp.float32)],
        interpret=interpret,
    )(flat, embeddings)


NBUF = 4


def _sc_gather_body(idx_hbm, table_hbm, out_hbm, idx_v, bufs, sem):
    wid = lax.axis_index("s") * NC + lax.axis_index("c")
    pltpu.sync_copy(idx_hbm.at[wid], idx_v)
    copies = [None] * NCH
    for j in range(NBUF):
        copies[j] = pltpu.async_copy(table_hbm.at[idx_v.at[j]],
                                     bufs.at[j], sem)
    for j in range(NCH):
        copies[j].wait()
        pltpu.sync_copy(bufs.at[j % NBUF],
                        out_hbm.at[wid, pl.ds(j * CH, CH)])
        if j + NBUF < NCH:
            copies[j + NBUF] = pltpu.async_copy(
                table_hbm.at[idx_v.at[j + NBUF]], bufs.at[j % NBUF], sem)


@functools.lru_cache(maxsize=1)
def _sc_gather_kernel():
    return pl.kernel(
        _sc_gather_body,
        mesh=plsc.VectorSubcoreMesh(core_axis_name="c", subcore_axis_name="s"),
        out_type=jax.ShapeDtypeStruct((NW, BPW, 2 * D), jnp.float32),
        scratch_types=[
            pltpu.VMEM((NCH, CH), jnp.int32),
            pltpu.VMEM((NBUF, CH, 2 * D), jnp.float32),
            pltpu.SemaphoreType.DMA,
        ],
        compiler_params=pltpu.CompilerParams(use_tc_tiling_on_sc=True),
    )


def kernel(inputs, embeddings):
    flat = inputs.reshape(N, D)
    idx, loss = _tc_quantize(flat, embeddings)
    table = jnp.pad(embeddings, ((0, 0), (0, D)))
    quantized = _sc_gather_kernel()(idx, table)
    quantized = quantized[:, :, :D]
    return quantized.reshape(inputs.shape), loss[0, 0]

# --- scband reference (transcript-rebuilt; emitter-appended) ---
"""Pipeline reference for scband-vector-quantizer-2456721293856 (READ-ONLY COPY).

The authoritative reference and input builder live on the scoring server;
editing this copy changes nothing except your own understanding.
"""

import jax, jax.numpy as jnp
import numpy as np

NUM_EMBEDDINGS = 1024
EMBEDDING_DIM = 64
COMMITMENT_COST = 0.25


def setup_inputs(seed: int = 0) -> dict:
    key = jax.random.key(seed)
    k1, k2 = jax.random.split(key)
    inputs = jax.random.normal(k1, (32, 1024, EMBEDDING_DIM), dtype=jnp.float32)
    embeddings = jax.random.uniform(
        k2, (NUM_EMBEDDINGS, EMBEDDING_DIM), dtype=jnp.float32,
        minval=-1.0 / NUM_EMBEDDINGS, maxval=1.0 / NUM_EMBEDDINGS)
    return {"inputs": inputs, "embeddings": embeddings}


def reference(inputs, embeddings):
    d = embeddings.shape[1]
    K = embeddings.shape[0]
    flat = inputs.reshape(-1, d)
    distances = (jnp.sum(flat ** 2, axis=1, keepdims=True)
                 + jnp.sum(embeddings ** 2, axis=1)
                 - 2.0 * flat @ embeddings.T)
    indices = jnp.argmin(distances, axis=1)
    # scatter one-hot encodings (torch scatter_ equivalent)
    encodings = jnp.zeros((indices.shape[0], K), dtype=jnp.float32)
    encodings = encodings.at[jnp.arange(indices.shape[0]), indices].set(1.0)
    quantized = (encodings @ embeddings).reshape(inputs.shape)
    q_loss = jnp.mean((jax.lax.stop_gradient(quantized) - inputs) ** 2)
    e_loss = jnp.mean((quantized - jax.lax.stop_gradient(inputs)) ** 2)
    loss = q_loss + COMMITMENT_COST * e_loss
    quantized_st = inputs + jax.lax.stop_gradient(quantized - inputs)
    return (quantized_st, loss)

if __name__ == "__main__":
    import jax
    _d = setup_inputs()
    print(jax.jit(kernel)(*tuple(_d.values())))

</pallas_src>

<mosaic_0001>
#map = affine_map<(d0, d1) -> (0, 0, 0)>
#map1 = affine_map<(d0, d1) -> (0, 0)>
module attributes {stable_mosaic.version = 14 : i64} {
  func.func @_sc_gather_body(%arg0: i32, %arg1: i32, %arg2: memref<32x8x128xi32, #tpu.memory_space<hbm>>, %arg3: memref<1024x128xf32, #tpu.memory_space<hbm>>, %arg4: memref<32x1024x128xf32, #tpu.memory_space<hbm>>, %arg5: memref<8x128xi32, #tpu.memory_space<vmem>>, %arg6: memref<4x128x128xf32, #tpu.memory_space<vmem>>, %arg7: memref<!tpu.dma_semaphore, #tpu.memory_space<semaphore_mem>>) attributes {dimension_semantics = [#tpu.dimension_semantics<core_parallel>, #tpu.dimension_semantics<subcore_parallel>], iteration_bounds = array<i64: 2, 16>, scalar_prefetch = 0 : i64, scratch_operands = 3 : i64, tpu.core_type = #tpu.core_type<sc_vector_subcore>, window_params = [{transform_indices = #map}, {transform_indices = #map1}, {transform_indices = #map}]} {
    %mul3A = arith.constant 2 : i32
    %mul3A_0 = arith.muli %arg1, %mul3A : i32
    %add3A = arith.addi %mul3A_0, %arg0 : i32
    "tpu.region"() ({
      %run_scoped3A_198 = tpu.sem_alloc : memref<!tpu.dma_semaphore, #tpu.memory_space<semaphore_mem>>
      %dma_start3A_199 = arith.constant 0 : i32
      %dma_start3A_200 = arith.constant 0 : i32
      %dma_start3A_201 = tpu.memref_slice %arg2[%add3A, %dma_start3A_199, %dma_start3A_200] : memref<32x8x128xi32, #tpu.memory_space<hbm>> -> memref<1x8x128xi32, #tpu.memory_space<hbm>>
      %dma_start3A_202 = tpu.memref_squeeze %dma_start3A_201 : memref<1x8x128xi32, #tpu.memory_space<hbm>> -> memref<8x128xi32, #tpu.memory_space<hbm>>
      %dma_start3A_203 = arith.constant 0 : i32
      %dma_start3A_204 = arith.constant 0 : i32
      %dma_start3A_205 = tpu.memref_slice %arg2[%add3A, %dma_start3A_203, %dma_start3A_204] : memref<32x8x128xi32, #tpu.memory_space<hbm>> -> memref<1x8x128xi32, #tpu.memory_space<hbm>>
      %dma_start3A_206 = tpu.memref_squeeze %dma_start3A_205 : memref<1x8x128xi32, #tpu.memory_space<hbm>> -> memref<8x128xi32, #tpu.memory_space<hbm>>
      tpu.enqueue_dma source(%dma_start3A_206 : memref<8x128xi32, #tpu.memory_space<hbm>>) target(%arg5 : memref<8x128xi32, #tpu.memory_space<vmem>>) target_semaphore(%run_scoped3A_198 : memref<!tpu.dma_semaphore, #tpu.memory_space<semaphore_mem>>)
      %dma_wait3A_207 = arith.constant 0 : i32
      %dma_wait3A_208 = arith.constant 0 : i32
      %dma_wait3A_209 = tpu.memref_slice %arg2[%add3A, %dma_wait3A_207, %dma_wait3A_208] : memref<32x8x128xi32, #tpu.memory_space<hbm>> -> memref<1x8x128xi32, #tpu.memory_space<hbm>>
      %dma_wait3A_210 = tpu.memref_squeeze %dma_wait3A_209 : memref<1x8x128xi32, #tpu.memory_space<hbm>> -> memref<8x128xi32, #tpu.memory_space<hbm>>
      %dma_wait3A_211 = arith.constant 0 : i32
      %dma_wait3A_212 = arith.constant 0 : i32
      %dma_wait3A_213 = tpu.memref_slice %arg2[%add3A, %dma_wait3A_211, %dma_wait3A_212] : memref<32x8x128xi32, #tpu.memory_space<hbm>> -> memref<1x8x128xi32, #tpu.memory_space<hbm>>
      %dma_wait3A_214 = tpu.memref_squeeze %dma_wait3A_213 : memref<1x8x128xi32, #tpu.memory_space<hbm>> -> memref<8x128xi32, #tpu.memory_space<hbm>>
      tpu.wait_dma2 semaphore(%run_scoped3A_198 : memref<!tpu.dma_semaphore, #tpu.memory_space<semaphore_mem>>) src(%dma_wait3A_214 : memref<8x128xi32, #tpu.memory_space<hbm>>) dst(%arg5 : memref<8x128xi32, #tpu.memory_space<vmem>>)
      tpu.yield
    }) : () -> ()
    %dma_start3A = arith.constant 0 : i32
    %dma_start3A_1 = arith.constant 0 : i32
    %dma_start3A_2 = arith.constant 0 : i32
    %dma_start3A_3 = arith.constant 0 : i32
    %dma_start3A_4 = tpu.memref_slice %arg6[%dma_start3A_1, %dma_start3A_2, %dma_start3A_3] : memref<4x128x128xf32, #tpu.memory_space<vmem>> -> memref<1x128x128xf32, #tpu.memory_space<vmem>>
    %dma_start3A_5 = tpu.memref_squeeze %dma_start3A_4 : memref<1x128x128xf32, #tpu.memory_space<vmem>> -> memref<128x128xf32, #tpu.memory_space<vmem>>
    %dma_start3A_6 = arith.constant 0 : i32
    %dma_start3A_7 = tpu.memref_slice %arg5[%dma_start3A, %dma_start3A_6] : memref<8x128xi32, #tpu.memory_space<vmem>> -> memref<1x128xi32, #tpu.memory_space<vmem>>
    %dma_start3A_8 = tpu.memref_squeeze %dma_start3A_7 : memref<1x128xi32, #tpu.memory_space<vmem>> -> memref<128xi32, #tpu.memory_space<vmem>>
    %dma_start3A_9 = arith.constant 0 : i32
    %dma_start3A_10 = arith.constant 0 : i32
    %dma_start3A_11 = tpu.memref_slice %arg3[%dma_start3A_9, %dma_start3A_10] : memref<1024x128xf32, #tpu.memory_space<hbm>> -> memref<1024x128xf32, #tpu.memory_space<hbm>>
    tpu.enqueue_indirect_dma source(%dma_start3A_11 : memref<1024x128xf32, #tpu.memory_space<hbm>>) target(%dma_start3A_5 : memref<128x128xf32, #tpu.memory_space<vmem>>) offsets(%dma_start3A_8 : memref<128xi32, #tpu.memory_space<vmem>>) semaphore(%arg7 : memref<!tpu.dma_semaphore, #tpu.memory_space<semaphore_mem>>)
    %dma_start3A_12 = arith.constant 1 : i32
    %dma_start3A_13 = arith.constant 1 : i32
    %dma_start3A_14 = arith.constant 0 : i32
    %dma_start3A_15 = arith.constant 0 : i32
    %dma_start3A_16 = tpu.memref_slice %arg6[%dma_start3A_13, %dma_start3A_14, %dma_start3A_15] : memref<4x128x128xf32, #tpu.memory_space<vmem>> -> memref<1x128x128xf32, #tpu.memory_space<vmem>>
    %dma_start3A_17 = tpu.memref_squeeze %dma_start3A_16 : memref<1x128x128xf32, #tpu.memory_space<vmem>> -> memref<128x128xf32, #tpu.memory_space<vmem>>
    %dma_start3A_18 = arith.constant 0 : i32
    %dma_start3A_19 = tpu.memref_slice %arg5[%dma_start3A_12, %dma_start3A_18] : memref<8x128xi32, #tpu.memory_space<vmem>> -> memref<1x128xi32, #tpu.memory_space<vmem>>
    %dma_start3A_20 = tpu.memref_squeeze %dma_start3A_19 : memref<1x128xi32, #tpu.memory_space<vmem>> -> memref<128xi32, #tpu.memory_space<vmem>>
    %dma_start3A_21 = arith.constant 0 : i32
    %dma_start3A_22 = arith.constant 0 : i32
    %dma_start3A_23 = tpu.memref_slice %arg3[%dma_start3A_21, %dma_start3A_22] : memref<1024x128xf32, #tpu.memory_space<hbm>> -> memref<1024x128xf32, #tpu.memory_space<hbm>>
    tpu.enqueue_indirect_dma source(%dma_start3A_23 : memref<1024x128xf32, #tpu.memory_space<hbm>>) target(%dma_start3A_17 : memref<128x128xf32, #tpu.memory_space<vmem>>) offsets(%dma_start3A_20 : memref<128xi32, #tpu.memory_space<vmem>>) semaphore(%arg7 : memref<!tpu.dma_semaphore, #tpu.memory_space<semaphore_mem>>)
    %dma_start3A_24 = arith.constant 2 : i32
    %dma_start3A_25 = arith.constant 2 : i32
    %dma_start3A_26 = arith.constant 0 : i32
    %dma_start3A_27 = arith.constant 0 : i32
    %dma_start3A_28 = tpu.memref_slice %arg6[%dma_start3A_25, %dma_start3A_26, %dma_start3A_27] : memref<4x128x128xf32, #tpu.memory_space<vmem>> -> memref<1x128x128xf32, #tpu.memory_space<vmem>>
    %dma_start3A_29 = tpu.memref_squeeze %dma_start3A_28 : memref<1x128x128xf32, #tpu.memory_space<vmem>> -> memref<128x128xf32, #tpu.memory_space<vmem>>
    %dma_start3A_30 = arith.constant 0 : i32
    %dma_start3A_31 = tpu.memref_slice %arg5[%dma_start3A_24, %dma_start3A_30] : memref<8x128xi32, #tpu.memory_space<vmem>> -> memref<1x128xi32, #tpu.memory_space<vmem>>
    %dma_start3A_32 = tpu.memref_squeeze %dma_start3A_31 : memref<1x128xi32, #tpu.memory_space<vmem>> -> memref<128xi32, #tpu.memory_space<vmem>>
    %dma_start3A_33 = arith.constant 0 : i32
    %dma_start3A_34 = arith.constant 0 : i32
    %dma_start3A_35 = tpu.memref_slice %arg3[%dma_start3A_33, %dma_start3A_34] : memref<1024x128xf32, #tpu.memory_space<hbm>> -> memref<1024x128xf32, #tpu.memory_space<hbm>>
    tpu.enqueue_indirect_dma source(%dma_start3A_35 : memref<1024x128xf32, #tpu.memory_space<hbm>>) target(%dma_start3A_29 : memref<128x128xf32, #tpu.memory_space<vmem>>) offsets(%dma_start3A_32 : memref<128xi32, #tpu.memory_space<vmem>>) semaphore(%arg7 : memref<!tpu.dma_semaphore, #tpu.memory_space<semaphore_mem>>)
    %dma_start3A_36 = arith.constant 3 : i32
    %dma_start3A_37 = arith.constant 3 : i32
    %dma_start3A_38 = arith.constant 0 : i32
    %dma_start3A_39 = arith.constant 0 : i32
    %dma_start3A_40 = tpu.memref_slice %arg6[%dma_start3A_37, %dma_start3A_38, %dma_start3A_39] : memref<4x128x128xf32, #tpu.memory_space<vmem>> -> memref<1x128x128xf32, #tpu.memory_space<vmem>>
    %dma_start3A_41 = tpu.memref_squeeze %dma_start3A_40 : memref<1x128x128xf32, #tpu.memory_space<vmem>> -> memref<128x128xf32, #tpu.memory_space<vmem>>
    %dma_start3A_42 = arith.constant 0 : i32
    %dma_start3A_43 = tpu.memref_slice %arg5[%dma_start3A_36, %dma_start3A_42] : memref<8x128xi32, #tpu.memory_space<vmem>> -> memref<1x128xi32, #tpu.memory_space<vmem>>
    %dma_start3A_44 = tpu.memref_squeeze %dma_start3A_43 : memref<1x128xi32, #tpu.memory_space<vmem>> -> memref<128xi32, #tpu.memory_space<vmem>>
    %dma_start3A_45 = arith.constant 0 : i32
    %dma_start3A_46 = arith.constant 0 : i32
    %dma_start3A_47 = tpu.memref_slice %arg3[%dma_start3A_45, %dma_start3A_46] : memref<1024x128xf32, #tpu.memory_space<hbm>> -> memref<1024x128xf32, #tpu.memory_space<hbm>>
    tpu.enqueue_indirect_dma source(%dma_start3A_47 : memref<1024x128xf32, #tpu.memory_space<hbm>>) target(%dma_start3A_41 : memref<128x128xf32, #tpu.memory_space<vmem>>) offsets(%dma_start3A_44 : memref<128xi32, #tpu.memory_space<vmem>>) semaphore(%arg7 : memref<!tpu.dma_semaphore, #tpu.memory_space<semaphore_mem>>)
    %dma_wait3A = arith.constant 0 : i32
    %dma_wait3A_48 = arith.constant 0 : i32
    %dma_wait3A_49 = arith.constant 0 : i32
    %dma_wait3A_50 = arith.constant 0 : i32
    %dma_wait3A_51 = tpu.memref_slice %arg6[%dma_wait3A_48, %dma_wait3A_49, %dma_wait3A_50] : memref<4x128x128xf32, #tpu.memory_space<vmem>> -> memref<1x128x128xf32, #tpu.memory_space<vmem>>
    %dma_wait3A_52 = tpu.memref_squeeze %dma_wait3A_51 : memref<1x128x128xf32, #tpu.memory_space<vmem>> -> memref<128x128xf32, #tpu.memory_space<vmem>>
    %dma_wait3A_53 = arith.constant 0 : i32
    %dma_wait3A_54 = tpu.memref_slice %arg5[%dma_wait3A, %dma_wait3A_53] : memref<8x128xi32, #tpu.memory_space<vmem>> -> memref<1x128xi32, #tpu.memory_space<vmem>>
    %dma_wait3A_55 = tpu.memref_squeeze %dma_wait3A_54 : memref<1x128xi32, #tpu.memory_space<vmem>> -> memref<128xi32, #tpu.memory_space<vmem>>
    %dma_wait3A_56 = arith.constant 0 : i32
    %dma_wait3A_57 = arith.constant 0 : i32
    %dma_wait3A_58 = tpu.memref_slice %arg3[%dma_wait3A_56, %dma_wait3A_57] : memref<1024x128xf32, #tpu.memory_space<hbm>> -> memref<1024x128xf32, #tpu.memory_space<hbm>>
    tpu.wait_indirect_dma semaphore(%arg7 : memref<!tpu.dma_semaphore, #tpu.memory_space<semaphore_mem>>) src(%dma_wait3A_58 : memref<1024x128xf32, #tpu.memory_space<hbm>>) dst(%dma_wait3A_52 : memref<128x128xf32, #tpu.memory_space<vmem>>)
    %run_scoped3A = arith.constant 0 : i32
    "tpu.region"() ({
      %run_scoped3A_198 = tpu.sem_alloc : memref<!tpu.dma_semaphore, #tpu.memory_space<semaphore_mem>>
      %dma_start3A_199 = arith.constant 0 : i32
      %dma_start3A_200 = arith.constant 0 : i32
      %dma_start3A_201 = tpu.memref_slice %arg6[%run_scoped3A, %dma_start3A_199, %dma_start3A_200] : memref<4x128x128xf32, #tpu.memory_space<vmem>> -> memref<1x128x128xf32, #tpu.memory_space<vmem>>
      %dma_start3A_202 = tpu.memref_squeeze %dma_start3A_201 : memref<1x128x128xf32, #tpu.memory_space<vmem>> -> memref<128x128xf32, #tpu.memory_space<vmem>>
      %dma_start3A_203 = arith.constant 0 : i32
      %dma_start3A_204 = arith.constant 0 : i32
      %dma_start3A_205 = tpu.memref_slice %arg4[%add3A, %dma_start3A_203, %dma_start3A_204] : memref<32x1024x128xf32, #tpu.memory_space<hbm>> -> memref<1x128x128xf32, #tpu.memory_space<hbm>>
      %dma_start3A_206 = tpu.memref_squeeze %dma_start3A_205 : memref<1x128x128xf32, #tpu.memory_space<hbm>> -> memref<128x128xf32, #tpu.memory_space<hbm>>
      %dma_start3A_207 = arith.constant 0 : i32
      %dma_start3A_208 = arith.constant 0 : i32
      %dma_start3A_209 = tpu.memref_slice %arg4[%add3A, %dma_start3A_207, %dma_start3A_208] : memref<32x1024x128xf32, #tpu.memory_space<hbm>> -> memref<1x128x128xf32, #tpu.memory_space<hbm>>
      %dma_start3A_210 = tpu.memref_squeeze %dma_start3A_209 : memref<1x128x128xf32, #tpu.memory_space<hbm>> -> memref<128x128xf32, #tpu.memory_space<hbm>>
      %dma_start3A_211 = arith.constant 0 : i32
      %dma_start3A_212 = arith.constant 0 : i32
      %dma_start3A_213 = tpu.memref_slice %arg6[%run_scoped3A, %dma_start3A_211, %dma_start3A_212] : memref<4x128x128xf32, #tpu.memory_space<vmem>> -> memref<1x128x128xf32, #tpu.memory_space<vmem>>
      %dma_start3A_214 = tpu.memref_squeeze %dma_start3A_213 : memref<1x128x128xf32, #tpu.memory_space<vmem>> -> memref<128x128xf32, #tpu.memory_space<vmem>>
      tpu.enqueue_dma source(%dma_start3A_214 : memref<128x128xf32, #tpu.memory_space<vmem>>) target(%dma_start3A_210 : memref<128x128xf32, #tpu.memory_space<hbm>>) target_semaphore(%run_scoped3A_198 : memref<!tpu.dma_semaphore, #tpu.memory_space<semaphore_mem>>)
      %dma_wait3A_215 = arith.constant 0 : i32
      %dma_wait3A_216 = arith.constant 0 : i32
      %dma_wait3A_217 = tpu.memref_slice %arg6[%run_scoped3A, %dma_wait3A_215, %dma_wait3A_216] : memref<4x128x128xf32, #tpu.memory_space<vmem>> -> memref<1x128x128xf32, #tpu.memory_space<vmem>>
      %dma_wait3A_218 = tpu.memref_squeeze %dma_wait3A_217 : memref<1x128x128xf32, #tpu.memory_space<vmem>> -> memref<128x128xf32, #tpu.memory_space<vmem>>
      %dma_wait3A_219 = arith.constant 0 : i32
      %dma_wait3A_220 = arith.constant 0 : i32
      %dma_wait3A_221 = tpu.memref_slice %arg4[%add3A, %dma_wait3A_219, %dma_wait3A_220] : memref<32x1024x128xf32, #tpu.memory_space<hbm>> -> memref<1x128x128xf32, #tpu.memory_space<hbm>>
      %dma_wait3A_222 = tpu.memref_squeeze %dma_wait3A_221 : memref<1x128x128xf32, #tpu.memory_space<hbm>> -> memref<128x128xf32, #tpu.memory_space<hbm>>
      %dma_wait3A_223 = arith.constant 0 : i32
      %dma_wait3A_224 = arith.constant 0 : i32
      %dma_wait3A_225 = tpu.memref_slice %arg4[%add3A, %dma_wait3A_223, %dma_wait3A_224] : memref<32x1024x128xf32, #tpu.memory_space<hbm>> -> memref<1x128x128xf32, #tpu.memory_space<hbm>>
      %dma_wait3A_226 = tpu.memref_squeeze %dma_wait3A_225 : memref<1x128x128xf32, #tpu.memory_space<hbm>> -> memref<128x128xf32, #tpu.memory_space<hbm>>
      %dma_wait3A_227 = arith.constant 0 : i32
      %dma_wait3A_228 = arith.constant 0 : i32
      %dma_wait3A_229 = tpu.memref_slice %arg6[%run_scoped3A, %dma_wait3A_227, %dma_wait3A_228] : memref<4x128x128xf32, #tpu.memory_space<vmem>> -> memref<1x128x128xf32, #tpu.memory_space<vmem>>
      %dma_wait3A_230 = tpu.memref_squeeze %dma_wait3A_229 : memref<1x128x128xf32, #tpu.memory_space<vmem>> -> memref<128x128xf32, #tpu.memory_space<vmem>>
      tpu.wait_dma2 semaphore(%run_scoped3A_198 : memref<!tpu.dma_semaphore, #tpu.memory_space<semaphore_mem>>) src(%dma_wait3A_230 : memref<128x128xf32, #tpu.memory_space<vmem>>) dst(%dma_wait3A_226 : memref<128x128xf32, #tpu.memory_space<hbm>>)
      tpu.yield
    }) : () -> ()
    %dma_start3A_59 = arith.constant 4 : i32
    %dma_start3A_60 = arith.constant 0 : i32
    %dma_start3A_61 = arith.constant 0 : i32
    %dma_start3A_62 = arith.constant 0 : i32
    %dma_start3A_63 = tpu.memref_slice %arg6[%dma_start3A_60, %dma_start3A_61, %dma_start3A_62] : memref<4x128x128xf32, #tpu.memory_space<vmem>> -> memref<1x128x128xf32, #tpu.memory_space<vmem>>
    %dma_start3A_64 = tpu.memref_squeeze %dma_start3A_63 : memref<1x128x128xf32, #tpu.memory_space<vmem>> -> memref<128x128xf32, #tpu.memory_space<vmem>>
    %dma_start3A_65 = arith.constant 0 : i32
    %dma_start3A_66 = tpu.memref_slice %arg5[%dma_start3A_59, %dma_start3A_65] : memref<8x128xi32, #tpu.memory_space<vmem>> -> memref<1x128xi32, #tpu.memory_space<vmem>>
    %dma_start3A_67 = tpu.memref_squeeze %dma_start3A_66 : memref<1x128xi32, #tpu.memory_space<vmem>> -> memref<128xi32, #tpu.memory_space<vmem>>
    %dma_start3A_68 = arith.constant 0 : i32
    %dma_start3A_69 = arith.constant 0 : i32
    %dma_start3A_70 = tpu.memref_slice %arg3[%dma_start3A_68, %dma_start3A_69] : memref<1024x128xf32, #tpu.memory_space<hbm>> -> memref<1024x128xf32, #tpu.memory_space<hbm>>
    tpu.enqueue_indirect_dma source(%dma_start3A_70 : memref<1024x128xf32, #tpu.memory_space<hbm>>) target(%dma_start3A_64 : memref<128x128xf32, #tpu.memory_space<vmem>>) offsets(%dma_start3A_67 : memref<128xi32, #tpu.memory_space<vmem>>) semaphore(%arg7 : memref<!tpu.dma_semaphore, #tpu.memory_space<semaphore_mem>>)
    %dma_wait3A_71 = arith.constant 1 : i32
    %dma_wait3A_72 = arith.constant 1 : i32
    %dma_wait3A_73 = arith.constant 0 : i32
    %dma_wait3A_74 = arith.constant 0 : i32
    %dma_wait3A_75 = tpu.memref_slice %arg6[%dma_wait3A_72, %dma_wait3A_73, %dma_wait3A_74] : memref<4x128x128xf32, #tpu.memory_space<vmem>> -> memref<1x128x128xf32, #tpu.memory_space<vmem>>
    %dma_wait3A_76 = tpu.memref_squeeze %dma_wait3A_75 : memref<1x128x128xf32, #tpu.memory_space<vmem>> -> memref<128x128xf32, #tpu.memory_space<vmem>>
    %dma_wait3A_77 = arith.constant 0 : i32
    %dma_wait3A_78 = tpu.memref_slice %arg5[%dma_wait3A_71, %dma_wait3A_77] : memref<8x128xi32, #tpu.memory_space<vmem>> -> memref<1x128xi32, #tpu.memory_space<vmem>>
    %dma_wait3A_79 = tpu.memref_squeeze %dma_wait3A_78 : memref<1x128xi32, #tpu.memory_space<vmem>> -> memref<128xi32, #tpu.memory_space<vmem>>
    %dma_wait3A_80 = arith.constant 0 : i32
    %dma_wait3A_81 = arith.constant 0 : i32
    %dma_wait3A_82 = tpu.memref_slice %arg3[%dma_wait3A_80, %dma_wait3A_81] : memref<1024x128xf32, #tpu.memory_space<hbm>> -> memref<1024x128xf32, #tpu.memory_space<hbm>>
    tpu.wait_indirect_dma semaphore(%arg7 : memref<!tpu.dma_semaphore, #tpu.memory_space<semaphore_mem>>) src(%dma_wait3A_82 : memref<1024x128xf32, #tpu.memory_space<hbm>>) dst(%dma_wait3A_76 : memref<128x128xf32, #tpu.memory_space<vmem>>)
    %run_scoped3A_83 = arith.constant 1 : i32
    "tpu.region"() ({
      %run_scoped3A_198 = tpu.sem_alloc : memref<!tpu.dma_semaphore, #tpu.memory_space<semaphore_mem>>
      %dma_start3A_199 = arith.constant 0 : i32
      %dma_start3A_200 = arith.constant 0 : i32
      %dma_start3A_201 = tpu.memref_slice %arg6[%run_scoped3A_83, %dma_start3A_199, %dma_start3A_200] : memref<4x128x128xf32, #tpu.memory_space<vmem>> -> memref<1x128x128xf32, #tpu.memory_space<vmem>>
      %dma_start3A_202 = tpu.memref_squeeze %dma_start3A_201 : memref<1x128x128xf32, #tpu.memory_space<vmem>> -> memref<128x128xf32, #tpu.memory_space<vmem>>
      %dma_start3A_203 = arith.constant 128 : i32
      %dma_start3A_204 = arith.constant 0 : i32
      %dma_start3A_205 = tpu.memref_slice %arg4[%add3A, %dma_start3A_203, %dma_start3A_204] : memref<32x1024x128xf32, #tpu.memory_space<hbm>> -> memref<1x128x128xf32, #tpu.memory_space<hbm>>
      %dma_start3A_206 = tpu.memref_squeeze %dma_start3A_205 : memref<1x128x128xf32, #tpu.memory_space<hbm>> -> memref<128x128xf32, #tpu.memory_space<hbm>>
      %dma_start3A_207 = arith.constant 128 : i32
      %dma_start3A_208 = arith.constant 0 : i32
      %dma_start3A_209 = tpu.memref_slice %arg4[%add3A, %dma_start3A_207, %dma_start3A_208] : memref<32x1024x128xf32, #tpu.memory_space<hbm>> -> memref<1x128x128xf32, #tpu.memory_space<hbm>>
      %dma_start3A_210 = tpu.memref_squeeze %dma_start3A_209 : memref<1x128x128xf32, #tpu.memory_space<hbm>> -> memref<128x128xf32, #tpu.memory_space<hbm>>
      %dma_start3A_211 = arith.constant 0 : i32
      %dma_start3A_212 = arith.constant 0 : i32
      %dma_start3A_213 = tpu.memref_slice %arg6[%run_scoped3A_83, %dma_start3A_211, %dma_start3A_212] : memref<4x128x128xf32, #tpu.memory_space<vmem>> -> memref<1x128x128xf32, #tpu.memory_space<vmem>>
      %dma_start3A_214 = tpu.memref_squeeze %dma_start3A_213 : memref<1x128x128xf32, #tpu.memory_space<vmem>> -> memref<128x128xf32, #tpu.memory_space<vmem>>
      tpu.enqueue_dma source(%dma_start3A_214 : memref<128x128xf32, #tpu.memory_space<vmem>>) target(%dma_start3A_210 : memref<128x128xf32, #tpu.memory_space<hbm>>) target_semaphore(%run_scoped3A_198 : memref<!tpu.dma_semaphore, #tpu.memory_space<semaphore_mem>>)
      %dma_wait3A_215 = arith.constant 0 : i32
      %dma_wait3A_216 = arith.constant 0 : i32
      %dma_wait3A_217 = tpu.memref_slice %arg6[%run_scoped3A_83, %dma_wait3A_215, %dma_wait3A_216] : memref<4x128x128xf32, #tpu.memory_space<vmem>> -> memref<1x128x128xf32, #tpu.memory_space<vmem>>
      %dma_wait3A_218 = tpu.memref_squeeze %dma_wait3A_217 : memref<1x128x128xf32, #tpu.memory_space<vmem>> -> memref<128x128xf32, #tpu.memory_space<vmem>>
      %dma_wait3A_219 = arith.constant 128 : i32
      %dma_wait3A_220 = arith.constant 0 : i32
      %dma_wait3A_221 = tpu.memref_slice %arg4[%add3A, %dma_wait3A_219, %dma_wait3A_220] : memref<32x1024x128xf32, #tpu.memory_space<hbm>> -> memref<1x128x128xf32, #tpu.memory_space<hbm>>
      %dma_wait3A_222 = tpu.memref_squeeze %dma_wait3A_221 : memref<1x128x128xf32, #tpu.memory_space<hbm>> -> memref<128x128xf32, #tpu.memory_space<hbm>>
      %dma_wait3A_223 = arith.constant 128 : i32
      %dma_wait3A_224 = arith.constant 0 : i32
      %dma_wait3A_225 = tpu.memref_slice %arg4[%add3A, %dma_wait3A_223, %dma_wait3A_224] : memref<32x1024x128xf32, #tpu.memory_space<hbm>> -> memref<1x128x128xf32, #tpu.memory_space<hbm>>
      %dma_wait3A_226 = tpu.memref_squeeze %dma_wait3A_225 : memref<1x128x128xf32, #tpu.memory_space<hbm>> -> memref<128x128xf32, #tpu.memory_space<hbm>>
      %dma_wait3A_227 = arith.constant 0 : i32
      %dma_wait3A_228 = arith.constant 0 : i32
      %dma_wait3A_229 = tpu.memref_slice %arg6[%run_scoped3A_83, %dma_wait3A_227, %dma_wait3A_228] : memref<4x128x128xf32, #tpu.memory_space<vmem>> -> memref<1x128x128xf32, #tpu.memory_space<vmem>>
      %dma_wait3A_230 = tpu.memref_squeeze %dma_wait3A_229 : memref<1x128x128xf32, #tpu.memory_space<vmem>> -> memref<128x128xf32, #tpu.memory_space<vmem>>
      tpu.wait_dma2 semaphore(%run_scoped3A_198 : memref<!tpu.dma_semaphore, #tpu.memory_space<semaphore_mem>>) src(%dma_wait3A_230 : memref<128x128xf32, #tpu.memory_space<vmem>>) dst(%dma_wait3A_226 : memref<128x128xf32, #tpu.memory_space<hbm>>)
      tpu.yield
    }) : () -> ()
    %dma_start3A_84 = arith.constant 5 : i32
    %dma_start3A_85 = arith.constant 1 : i32
    %dma_start3A_86 = arith.constant 0 : i32
    %dma_start3A_87 = arith.constant 0 : i32
    %dma_start3A_88 = tpu.memref_slice %arg6[%dma_start3A_85, %dma_start3A_86, %dma_start3A_87] : memref<4x128x128xf32, #tpu.memory_space<vmem>> -> memref<1x128x128xf32, #tpu.memory_space<vmem>>
    %dma_start3A_89 = tpu.memref_squeeze %dma_start3A_88 : memref<1x128x128xf32, #tpu.memory_space<vmem>> -> memref<128x128xf32, #tpu.memory_space<vmem>>
    %dma_start3A_90 = arith.constant 0 : i32
    %dma_start3A_91 = tpu.memref_slice %arg5[%dma_start3A_84, %dma_start3A_90] : memref<8x128xi32, #tpu.memory_space<vmem>> -> memref<1x128xi32, #tpu.memory_space<vmem>>
    %dma_start3A_92 = tpu.memref_squeeze %dma_start3A_91 : memref<1x128xi32, #tpu.memory_space<vmem>> -> memref<128xi32, #tpu.memory_space<vmem>>
    %dma_start3A_93 = arith.constant 0 : i32
    %dma_start3A_94 = arith.constant 0 : i32
    %dma_start3A_95 = tpu.memref_slice %arg3[%dma_start3A_93, %dma_start3A_94] : memref<1024x128xf32, #tpu.memory_space<hbm>> -> memref<1024x128xf32, #tpu.memory_space<hbm>>
    tpu.enqueue_indirect_dma source(%dma_start3A_95 : memref<1024x128xf32, #tpu.memory_space<hbm>>) target(%dma_start3A_89 : memref<128x128xf32, #tpu.memory_space<vmem>>) offsets(%dma_start3A_92 : memref<128xi32, #tpu.memory_space<vmem>>) semaphore(%arg7 : memref<!tpu.dma_semaphore, #tpu.memory_space<semaphore_mem>>)
    %dma_wait3A_96 = arith.constant 2 : i32
    %dma_wait3A_97 = arith.constant 2 : i32
    %dma_wait3A_98 = arith.constant 0 : i32
    %dma_wait3A_99 = arith.constant 0 : i32
    %dma_wait3A_100 = tpu.memref_slice %arg6[%dma_wait3A_97, %dma_wait3A_98, %dma_wait3A_99] : memref<4x128x128xf32, #tpu.memory_space<vmem>> -> memref<1x128x128xf32, #tpu.memory_space<vmem>>
    %dma_wait3A_101 = tpu.memref_squeeze %dma_wait3A_100 : memref<1x128x128xf32, #tpu.memory_space<vmem>> -> memref<128x128xf32, #tpu.memory_space<vmem>>
    %dma_wait3A_102 = arith.constant 0 : i32
    %dma_wait3A_103 = tpu.memref_slice %arg5[%dma_wait3A_96, %dma_wait3A_102] : memref<8x128xi32, #tpu.memory_space<vmem>> -> memref<1x128xi32, #tpu.memory_space<vmem>>
    %dma_wait3A_104 = tpu.memref_squeeze %dma_wait3A_103 : memref<1x128xi32, #tpu.memory_space<vmem>> -> memref<128xi32, #tpu.memory_space<vmem>>
    %dma_wait3A_105 = arith.constant 0 : i32
    %dma_wait3A_106 = arith.constant 0 : i32
    %dma_wait3A_107 = tpu.memref_slice %arg3[%dma_wait3A_105, %dma_wait3A_106] : memref<1024x128xf32, #tpu.memory_space<hbm>> -> memref<1024x128xf32, #tpu.memory_space<hbm>>
    tpu.wait_indirect_dma semaphore(%arg7 : memref<!tpu.dma_semaphore, #tpu.memory_space<semaphore_mem>>) src(%dma_wait3A_107 : memref<1024x128xf32, #tpu.memory_space<hbm>>) dst(%dma_wait3A_101 : memref<128x128xf32, #tpu.memory_space<vmem>>)
    %run_scoped3A_108 = arith.constant 2 : i32
    "tpu.region"() ({
      %run_scoped3A_198 = tpu.sem_alloc : memref<!tpu.dma_semaphore, #tpu.memory_space<semaphore_mem>>
      %dma_start3A_199 = arith.constant 0 : i32
      %dma_start3A_200 = arith.constant 0 : i32
      %dma_start3A_201 = tpu.memref_slice %arg6[%run_scoped3A_108, %dma_start3A_199, %dma_start3A_200] : memref<4x128x128xf32, #tpu.memory_space<vmem>> -> memref<1x128x128xf32, #tpu.memory_space<vmem>>
      %dma_start3A_202 = tpu.memref_squeeze %dma_start3A_201 : memref<1x128x128xf32, #tpu.memory_space<vmem>> -> memref<128x128xf32, #tpu.memory_space<vmem>>
      %dma_start3A_203 = arith.constant 256 : i32
      %dma_start3A_204 = arith.constant 0 : i32
      %dma_start3A_205 = tpu.memref_slice %arg4[%add3A, %dma_start3A_203, %dma_start3A_204] : memref<32x1024x128xf32, #tpu.memory_space<hbm>> -> memref<1x128x128xf32, #tpu.memory_space<hbm>>
      %dma_start3A_206 = tpu.memref_squeeze %dma_start3A_205 : memref<1x128x128xf32, #tpu.memory_space<hbm>> -> memref<128x128xf32, #tpu.memory_space<hbm>>
      %dma_start3A_207 = arith.constant 256 : i32
      %dma_start3A_208 = arith.constant 0 : i32
      %dma_start3A_209 = tpu.memref_slice %arg4[%add3A, %dma_start3A_207, %dma_start3A_208] : memref<32x1024x128xf32, #tpu.memory_space<hbm>> -> memref<1x128x128xf32, #tpu.memory_space<hbm>>
      %dma_start3A_210 = tpu.memref_squeeze %dma_start3A_209 : memref<1x128x128xf32, #tpu.memory_space<hbm>> -> memref<128x128xf32, #tpu.memory_space<hbm>>
      %dma_start3A_211 = arith.constant 0 : i32
      %dma_start3A_212 = arith.constant 0 : i32
      %dma_start3A_213 = tpu.memref_slice %arg6[%run_scoped3A_108, %dma_start3A_211, %dma_start3A_212] : memref<4x128x128xf32, #tpu.memory_space<vmem>> -> memref<1x128x128xf32, #tpu.memory_space<vmem>>
      %dma_start3A_214 = tpu.memref_squeeze %dma_start3A_213 : memref<1x128x128xf32, #tpu.memory_space<vmem>> -> memref<128x128xf32, #tpu.memory_space<vmem>>
      tpu.enqueue_dma source(%dma_start3A_214 : memref<128x128xf32, #tpu.memory_space<vmem>>) target(%dma_start3A_210 : memref<128x128xf32, #tpu.memory_space<hbm>>) target_semaphore(%run_scoped3A_198 : memref<!tpu.dma_semaphore, #tpu.memory_space<semaphore_mem>>)
      %dma_wait3A_215 = arith.constant 0 : i32
      %dma_wait3A_216 = arith.constant 0 : i32
      %dma_wait3A_217 = tpu.memref_slice %arg6[%run_scoped3A_108, %dma_wait3A_215, %dma_wait3A_216] : memref<4x128x128xf32, #tpu.memory_space<vmem>> -> memref<1x128x128xf32, #tpu.memory_space<vmem>>
      %dma_wait3A_218 = tpu.memref_squeeze %dma_wait3A_217 : memref<1x128x128xf32, #tpu.memory_space<vmem>> -> memref<128x128xf32, #tpu.memory_space<vmem>>
      %dma_wait3A_219 = arith.constant 256 : i32
      %dma_wait3A_220 = arith.constant 0 : i32
      %dma_wait3A_221 = tpu.memref_slice %arg4[%add3A, %dma_wait3A_219, %dma_wait3A_220] : memref<32x1024x128xf32, #tpu.memory_space<hbm>> -> memref<1x128x128xf32, #tpu.memory_space<hbm>>
      %dma_wait3A_222 = tpu.memref_squeeze %dma_wait3A_221 : memref<1x128x128xf32, #tpu.memory_space<hbm>> -> memref<128x128xf32, #tpu.memory_space<hbm>>
      %dma_wait3A_223 = arith.constant 256 : i32
      %dma_wait3A_224 = arith.constant 0 : i32
      %dma_wait3A_225 = tpu.memref_slice %arg4[%add3A, %dma_wait3A_223, %dma_wait3A_224] : memref<32x1024x128xf32, #tpu.memory_space<hbm>> -> memref<1x128x128xf32, #tpu.memory_space<hbm>>
      %dma_wait3A_226 = tpu.memref_squeeze %dma_wait3A_225 : memref<1x128x128xf32, #tpu.memory_space<hbm>> -> memref<128x128xf32, #tpu.memory_space<hbm>>
      %dma_wait3A_227 = arith.constant 0 : i32
      %dma_wait3A_228 = arith.constant 0 : i32
      %dma_wait3A_229 = tpu.memref_slice %arg6[%run_scoped3A_108, %dma_wait3A_227, %dma_wait3A_228] : memref<4x128x128xf32, #tpu.memory_space<vmem>> -> memref<1x128x128xf32, #tpu.memory_space<vmem>>
      %dma_wait3A_230 = tpu.memref_squeeze %dma_wait3A_229 : memref<1x128x128xf32, #tpu.memory_space<vmem>> -> memref<128x128xf32, #tpu.memory_space<vmem>>
      tpu.wait_dma2 semaphore(%run_scoped3A_198 : memref<!tpu.dma_semaphore, #tpu.memory_space<semaphore_mem>>) src(%dma_wait3A_230 : memref<128x128xf32, #tpu.memory_space<vmem>>) dst(%dma_wait3A_226 : memref<128x128xf32, #tpu.memory_space<hbm>>)
      tpu.yield
    }) : () -> ()
    %dma_start3A_109 = arith.constant 6 : i32
    %dma_start3A_110 = arith.constant 2 : i32
    %dma_start3A_111 = arith.constant 0 : i32
    %dma_start3A_112 = arith.constant 0 : i32
    %dma_start3A_113 = tpu.memref_slice %arg6[%dma_start3A_110, %dma_start3A_111, %dma_start3A_112] : memref<4x128x128xf32, #tpu.memory_space<vmem>> -> memref<1x128x128xf32, #tpu.memory_space<vmem>>
    %dma_start3A_114 = tpu.memref_squeeze %dma_start3A_113 : memref<1x128x128xf32, #tpu.memory_space<vmem>> -> memref<128x128xf32, #tpu.memory_space<vmem>>
    %dma_start3A_115 = arith.constant 0 : i32
    %dma_start3A_116 = tpu.memref_slice %arg5[%dma_start3A_109, %dma_start3A_115] : memref<8x128xi32, #tpu.memory_space<vmem>> -> memref<1x128xi32, #tpu.memory_space<vmem>>
    %dma_start3A_117 = tpu.memref_squeeze %dma_start3A_116 : memref<1x128xi32, #tpu.memory_space<vmem>> -> memref<128xi32, #tpu.memory_space<vmem>>
    %dma_start3A_118 = arith.constant 0 : i32
    %dma_start3A_119 = arith.constant 0 : i32
    %dma_start3A_120 = tpu.memref_slice %arg3[%dma_start3A_118, %dma_start3A_119] : memref<1024x128xf32, #tpu.memory_space<hbm>> -> memref<1024x128xf32, #tpu.memory_space<hbm>>
    tpu.enqueue_indirect_dma source(%dma_start3A_120 : memref<1024x128xf32, #tpu.memory_space<hbm>>) target(%dma_start3A_114 : memref<128x128xf32, #tpu.memory_space<vmem>>) offsets(%dma_start3A_117 : memref<128xi32, #tpu.memory_space<vmem>>) semaphore(%arg7 : memref<!tpu.dma_semaphore, #tpu.memory_space<semaphore_mem>>)
    %dma_wait3A_121 = arith.constant 3 : i32
    %dma_wait3A_122 = arith.constant 3 : i32
    %dma_wait3A_123 = arith.constant 0 : i32
    %dma_wait3A_124 = arith.constant 0 : i32
    %dma_wait3A_125 = tpu.memref_slice %arg6[%dma_wait3A_122, %dma_wait3A_123, %dma_wait3A_124] : memref<4x128x128xf32, #tpu.memory_space<vmem>> -> memref<1x128x128xf32, #tpu.memory_space<vmem>>
    %dma_wait3A_126 = tpu.memref_squeeze %dma_wait3A_125 : memref<1x128x128xf32, #tpu.memory_space<vmem>> -> memref<128x128xf32, #tpu.memory_space<vmem>>
    %dma_wait3A_127 = arith.constant 0 : i32
    %dma_wait3A_128 = tpu.memref_slice %arg5[%dma_wait3A_121, %dma_wait3A_127] : memref<8x128xi32, #tpu.memory_space<vmem>> -> memref<1x128xi32, #tpu.memory_space<vmem>>
    %dma_wait3A_129 = tpu.memref_squeeze %dma_wait3A_128 : memref<1x128xi32, #tpu.memory_space<vmem>> -> memref<128xi32, #tpu.memory_space<vmem>>
    %dma_wait3A_130 = arith.constant 0 : i32
    %dma_wait3A_131 = arith.constant 0 : i32
    %dma_wait3A_132 = tpu.memref_slice %arg3[%dma_wait3A_130, %dma_wait3A_131] : memref<1024x128xf32, #tpu.memory_space<hbm>> -> memref<1024x128xf32, #tpu.memory_space<hbm>>
    tpu.wait_indirect_dma semaphore(%arg7 : memref<!tpu.dma_semaphore, #tpu.memory_space<semaphore_mem>>) src(%dma_wait3A_132 : memref<1024x128xf32, #tpu.memory_space<hbm>>) dst(%dma_wait3A_126 : memref<128x128xf32, #tpu.memory_space<vmem>>)
    %run_scoped3A_133 = arith.constant 3 : i32
    "tpu.region"() ({
      %run_scoped3A_198 = tpu.sem_alloc : memref<!tpu.dma_semaphore, #tpu.memory_space<semaphore_mem>>
      %dma_start3A_199 = arith.constant 0 : i32
      %dma_start3A_200 = arith.constant 0 : i32
      %dma_start3A_201 = tpu.memref_slice %arg6[%run_scoped3A_133, %dma_start3A_199, %dma_start3A_200] : memref<4x128x128xf32, #tpu.memory_space<vmem>> -> memref<1x128x128xf32, #tpu.memory_space<vmem>>
      %dma_start3A_202 = tpu.memref_squeeze %dma_start3A_201 : memref<1x128x128xf32, #tpu.memory_space<vmem>> -> memref<128x128xf32, #tpu.memory_space<vmem>>
      %dma_start3A_203 = arith.constant 384 : i32
      %dma_start3A_204 = arith.constant 0 : i32
      %dma_start3A_205 = tpu.memref_slice %arg4[%add3A, %dma_start3A_203, %dma_start3A_204] : memref<32x1024x128xf32, #tpu.memory_space<hbm>> -> memref<1x128x128xf32, #tpu.memory_space<hbm>>
      %dma_start3A_206 = tpu.memref_squeeze %dma_start3A_205 : memref<1x128x128xf32, #tpu.memory_space<hbm>> -> memref<128x128xf32, #tpu.memory_space<hbm>>
      %dma_start3A_207 = arith.constant 384 : i32
      %dma_start3A_208 = arith.constant 0 : i32
      %dma_start3A_209 = tpu.memref_slice %arg4[%add3A, %dma_start3A_207, %dma_start3A_208] : memref<32x1024x128xf32, #tpu.memory_space<hbm>> -> memref<1x128x128xf32, #tpu.memory_space<hbm>>
      %dma_start3A_210 = tpu.memref_squeeze %dma_start3A_209 : memref<1x128x128xf32, #tpu.memory_space<hbm>> -> memref<128x128xf32, #tpu.memory_space<hbm>>
      %dma_start3A_211 = arith.constant 0 : i32
      %dma_start3A_212 = arith.constant 0 : i32
      %dma_start3A_213 = tpu.memref_slice %arg6[%run_scoped3A_133, %dma_start3A_211, %dma_start3A_212] : memref<4x128x128xf32, #tpu.memory_space<vmem>> -> memref<1x128x128xf32, #tpu.memory_space<vmem>>
      %dma_start3A_214 = tpu.memref_squeeze %dma_start3A_213 : memref<1x128x128xf32, #tpu.memory_space<vmem>> -> memref<128x128xf32, #tpu.memory_space<vmem>>
      tpu.enqueue_dma source(%dma_start3A_214 : memref<128x128xf32, #tpu.memory_space<vmem>>) target(%dma_start3A_210 : memref<128x128xf32, #tpu.memory_space<hbm>>) target_semaphore(%run_scoped3A_198 : memref<!tpu.dma_semaphore, #tpu.memory_space<semaphore_mem>>)
      %dma_wait3A_215 = arith.constant 0 : i32
      %dma_wait3A_216 = arith.constant 0 : i32
      %dma_wait3A_217 = tpu.memref_slice %arg6[%run_scoped3A_133, %dma_wait3A_215, %dma_wait3A_216] : memref<4x128x128xf32, #tpu.memory_space<vmem>> -> memref<1x128x128xf32, #tpu.memory_space<vmem>>
      %dma_wait3A_218 = tpu.memref_squeeze %dma_wait3A_217 : memref<1x128x128xf32, #tpu.memory_space<vmem>> -> memref<128x128xf32, #tpu.memory_space<vmem>>
      %dma_wait3A_219 = arith.constant 384 : i32
      %dma_wait3A_220 = arith.constant 0 : i32
      %dma_wait3A_221 = tpu.memref_slice %arg4[%add3A, %dma_wait3A_219, %dma_wait3A_220] : memref<32x1024x128xf32, #tpu.memory_space<hbm>> -> memref<1x128x128xf32, #tpu.memory_space<hbm>>
      %dma_wait3A_222 = tpu.memref_squeeze %dma_wait3A_221 : memref<1x128x128xf32, #tpu.memory_space<hbm>> -> memref<128x128xf32, #tpu.memory_space<hbm>>
      %dma_wait3A_223 = arith.constant 384 : i32
      %dma_wait3A_224 = arith.constant 0 : i32
      %dma_wait3A_225 = tpu.memref_slice %arg4[%add3A, %dma_wait3A_223, %dma_wait3A_224] : memref<32x1024x128xf32, #tpu.memory_space<hbm>> -> memref<1x128x128xf32, #tpu.memory_space<hbm>>
      %dma_wait3A_226 = tpu.memref_squeeze %dma_wait3A_225 : memref<1x128x128xf32, #tpu.memory_space<hbm>> -> memref<128x128xf32, #tpu.memory_space<hbm>>
      %dma_wait3A_227 = arith.constant 0 : i32
      %dma_wait3A_228 = arith.constant 0 : i32
      %dma_wait3A_229 = tpu.memref_slice %arg6[%run_scoped3A_133, %dma_wait3A_227, %dma_wait3A_228] : memref<4x128x128xf32, #tpu.memory_space<vmem>> -> memref<1x128x128xf32, #tpu.memory_space<vmem>>
      %dma_wait3A_230 = tpu.memref_squeeze %dma_wait3A_229 : memref<1x128x128xf32, #tpu.memory_space<vmem>> -> memref<128x128xf32, #tpu.memory_space<vmem>>
      tpu.wait_dma2 semaphore(%run_scoped3A_198 : memref<!tpu.dma_semaphore, #tpu.memory_space<semaphore_mem>>) src(%dma_wait3A_230 : memref<128x128xf32, #tpu.memory_space<vmem>>) dst(%dma_wait3A_226 : memref<128x128xf32, #tpu.memory_space<hbm>>)
      tpu.yield
    }) : () -> ()
    %dma_start3A_134 = arith.constant 7 : i32
    %dma_start3A_135 = arith.constant 3 : i32
    %dma_start3A_136 = arith.constant 0 : i32
    %dma_start3A_137 = arith.constant 0 : i32
    %dma_start3A_138 = tpu.memref_slice %arg6[%dma_start3A_135, %dma_start3A_136, %dma_start3A_137] : memref<4x128x128xf32, #tpu.memory_space<vmem>> -> memref<1x128x128xf32, #tpu.memory_space<vmem>>
    %dma_start3A_139 = tpu.memref_squeeze %dma_start3A_138 : memref<1x128x128xf32, #tpu.memory_space<vmem>> -> memref<128x128xf32, #tpu.memory_space<vmem>>
    %dma_start3A_140 = arith.constant 0 : i32
    %dma_start3A_141 = tpu.memref_slice %arg5[%dma_start3A_134, %dma_start3A_140] : memref<8x128xi32, #tpu.memory_space<vmem>> -> memref<1x128xi32, #tpu.memory_space<vmem>>
    %dma_start3A_142 = tpu.memref_squeeze %dma_start3A_141 : memref<1x128xi32, #tpu.memory_space<vmem>> -> memref<128xi32, #tpu.memory_space<vmem>>
    %dma_start3A_143 = arith.constant 0 : i32
    %dma_start3A_144 = arith.constant 0 : i32
    %dma_start3A_145 = tpu.memref_slice %arg3[%dma_start3A_143, %dma_start3A_144] : memref<1024x128xf32, #tpu.memory_space<hbm>> -> memref<1024x128xf32, #tpu.memory_space<hbm>>
    tpu.enqueue_indirect_dma source(%dma_start3A_145 : memref<1024x128xf32, #tpu.memory_space<hbm>>) target(%dma_start3A_139 : memref<128x128xf32, #tpu.memory_space<vmem>>) offsets(%dma_start3A_142 : memref<128xi32, #tpu.memory_space<vmem>>) semaphore(%arg7 : memref<!tpu.dma_semaphore, #tpu.memory_space<semaphore_mem>>)
    %dma_wait3A_146 = arith.constant 4 : i32
    %dma_wait3A_147 = arith.constant 0 : i32
    %dma_wait3A_148 = arith.constant 0 : i32
    %dma_wait3A_149 = arith.constant 0 : i32
    %dma_wait3A_150 = tpu.memref_slice %arg6[%dma_wait3A_147, %dma_wait3A_148, %dma_wait3A_149] : memref<4x128x128xf32, #tpu.memory_space<vmem>> -> memref<1x128x128xf32, #tpu.memory_space<vmem>>
    %dma_wait3A_151 = tpu.memref_squeeze %dma_wait3A_150 : memref<1x128x128xf32, #tpu.memory_space<vmem>> -> memref<128x128xf32, #tpu.memory_space<vmem>>
    %dma_wait3A_152 = arith.constant 0 : i32
    %dma_wait3A_153 = tpu.memref_slice %arg5[%dma_wait3A_146, %dma_wait3A_152] : memref<8x128xi32, #tpu.memory_space<vmem>> -> memref<1x128xi32, #tpu.memory_space<vmem>>
    %dma_wait3A_154 = tpu.memref_squeeze %dma_wait3A_153 : memref<1x128xi32, #tpu.memory_space<vmem>> -> memref<128xi32, #tpu.memory_space<vmem>>
    %dma_wait3A_155 = arith.constant 0 : i32
    %dma_wait3A_156 = arith.constant 0 : i32
    %dma_wait3A_157 = tpu.memref_slice %arg3[%dma_wait3A_155, %dma_wait3A_156] : memref<1024x128xf32, #tpu.memory_space<hbm>> -> memref<1024x128xf32, #tpu.memory_space<hbm>>
    tpu.wait_indirect_dma semaphore(%arg7 : memref<!tpu.dma_semaphore, #tpu.memory_space<semaphore_mem>>) src(%dma_wait3A_157 : memref<1024x128xf32, #tpu.memory_space<hbm>>) dst(%dma_wait3A_151 : memref<128x128xf32, #tpu.memory_space<vmem>>)
    %run_scoped3A_158 = arith.constant 0 : i32
    "tpu.region"() ({
      %run_scoped3A_198 = tpu.sem_alloc : memref<!tpu.dma_semaphore, #tpu.memory_space<semaphore_mem>>
      %dma_start3A_199 = arith.constant 0 : i32
      %dma_start3A_200 = arith.constant 0 : i32
      %dma_start3A_201 = tpu.memref_slice %arg6[%run_scoped3A_158, %dma_start3A_199, %dma_start3A_200] : memref<4x128x128xf32, #tpu.memory_space<vmem>> -> memref<1x128x128xf32, #tpu.memory_space<vmem>>
      %dma_start3A_202 = tpu.memref_squeeze %dma_start3A_201 : memref<1x128x128xf32, #tpu.memory_space<vmem>> -> memref<128x128xf32, #tpu.memory_space<vmem>>
      %dma_start3A_203 = arith.constant 512 : i32
      %dma_start3A_204 = arith.constant 0 : i32
      %dma_start3A_205 = tpu.memref_slice %arg4[%add3A, %dma_start3A_203, %dma_start3A_204] : memref<32x1024x128xf32, #tpu.memory_space<hbm>> -> memref<1x128x128xf32, #tpu.memory_space<hbm>>
      %dma_start3A_206 = tpu.memref_squeeze %dma_start3A_205 : memref<1x128x128xf32, #tpu.memory_space<hbm>> -> memref<128x128xf32, #tpu.memory_space<hbm>>
      %dma_start3A_207 = arith.constant 512 : i32
      %dma_start3A_208 = arith.constant 0 : i32
      %dma_start3A_209 = tpu.memref_slice %arg4[%add3A, %dma_start3A_207, %dma_start3A_208] : memref<32x1024x128xf32, #tpu.memory_space<hbm>> -> memref<1x128x128xf32, #tpu.memory_space<hbm>>
      %dma_start3A_210 = tpu.memref_squeeze %dma_start3A_209 : memref<1x128x128xf32, #tpu.memory_space<hbm>> -> memref<128x128xf32, #tpu.memory_space<hbm>>
      %dma_start3A_211 = arith.constant 0 : i32
      %dma_start3A_212 = arith.constant 0 : i32
      %dma_start3A_213 = tpu.memref_slice %arg6[%run_scoped3A_158, %dma_start3A_211, %dma_start3A_212] : memref<4x128x128xf32, #tpu.memory_space<vmem>> -> memref<1x128x128xf32, #tpu.memory_space<vmem>>
      %dma_start3A_214 = tpu.memref_squeeze %dma_start3A_213 : memref<1x128x128xf32, #tpu.memory_space<vmem>> -> memref<128x128xf32, #tpu.memory_space<vmem>>
      tpu.enqueue_dma source(%dma_start3A_214 : memref<128x128xf32, #tpu.memory_space<vmem>>) target(%dma_start3A_210 : memref<128x128xf32, #tpu.memory_space<hbm>>) target_semaphore(%run_scoped3A_198 : memref<!tpu.dma_semaphore, #tpu.memory_space<semaphore_mem>>)
      %dma_wait3A_215 = arith.constant 0 : i32
      %dma_wait3A_216 = arith.constant 0 : i32
      %dma_wait3A_217 = tpu.memref_slice %arg6[%run_scoped3A_158, %dma_wait3A_215, %dma_wait3A_216] : memref<4x128x128xf32, #tpu.memory_space<vmem>> -> memref<1x128x128xf32, #tpu.memory_space<vmem>>
      %dma_wait3A_218 = tpu.memref_squeeze %dma_wait3A_217 : memref<1x128x128xf32, #tpu.memory_space<vmem>> -> memref<128x128xf32, #tpu.memory_space<vmem>>
      %dma_wait3A_219 = arith.constant 512 : i32
      %dma_wait3A_220 = arith.constant 0 : i32
      %dma_wait3A_221 = tpu.memref_slice %arg4[%add3A, %dma_wait3A_219, %dma_wait3A_220] : memref<32x1024x128xf32, #tpu.memory_space<hbm>> -> memref<1x128x128xf32, #tpu.memory_space<hbm>>
      %dma_wait3A_222 = tpu.memref_squeeze %dma_wait3A_221 : memref<1x128x128xf32, #tpu.memory_space<hbm>> -> memref<128x128xf32, #tpu.memory_space<hbm>>
      %dma_wait3A_223 = arith.constant 512 : i32
      %dma_wait3A_224 = arith.constant 0 : i32
      %dma_wait3A_225 = tpu.memref_slice %arg4[%add3A, %dma_wait3A_223, %dma_wait3A_224] : memref<32x1024x128xf32, #tpu.memory_space<hbm>> -> memref<1x128x128xf32, #tpu.memory_space<hbm>>
      %dma_wait3A_226 = tpu.memref_squeeze %dma_wait3A_225 : memref<1x128x128xf32, #tpu.memory_space<hbm>> -> memref<128x128xf32, #tpu.memory_space<hbm>>
      %dma_wait3A_227 = arith.constant 0 : i32
      %dma_wait3A_228 = arith.constant 0 : i32
      %dma_wait3A_229 = tpu.memref_slice %arg6[%run_scoped3A_158, %dma_wait3A_227, %dma_wait3A_228] : memref<4x128x128xf32, #tpu.memory_space<vmem>> -> memref<1x128x128xf32, #tpu.memory_space<vmem>>
      %dma_wait3A_230 = tpu.memref_squeeze %dma_wait3A_229 : memref<1x128x128xf32, #tpu.memory_space<vmem>> -> memref<128x128xf32, #tpu.memory_space<vmem>>
      tpu.wait_dma2 semaphore(%run_scoped3A_198 : memref<!tpu.dma_semaphore, #tpu.memory_space<semaphore_mem>>) src(%dma_wait3A_230 : memref<128x128xf32, #tpu.memory_space<vmem>>) dst(%dma_wait3A_226 : memref<128x128xf32, #tpu.memory_space<hbm>>)
      tpu.yield
    }) : () -> ()
    %dma_wait3A_159 = arith.constant 5 : i32
    %dma_wait3A_160 = arith.constant 1 : i32
    %dma_wait3A_161 = arith.constant 0 : i32
    %dma_wait3A_162 = arith.constant 0 : i32
    %dma_wait3A_163 = tpu.memref_slice %arg6[%dma_wait3A_160, %dma_wait3A_161, %dma_wait3A_162] : memref<4x128x128xf32, #tpu.memory_space<vmem>> -> memref<1x128x128xf32, #tpu.memory_space<vmem>>
    %dma_wait3A_164 = tpu.memref_squeeze %dma_wait3A_163 : memref<1x128x128xf32, #tpu.memory_space<vmem>> -> memref<128x128xf32, #tpu.memory_space<vmem>>
    %dma_wait3A_165 = arith.constant 0 : i32
    %dma_wait3A_166 = tpu.memref_slice %arg5[%dma_wait3A_159, %dma_wait3A_165] : memref<8x128xi32, #tpu.memory_space<vmem>> -> memref<1x128xi32, #tpu.memory_space<vmem>>
    %dma_wait3A_167 = tpu.memref_squeeze %dma_wait3A_166 : memref<1x128xi32, #tpu.memory_space<vmem>> -> memref<128xi32, #tpu.memory_space<vmem>>
    %dma_wait3A_168 = arith.constant 0 : i32
    %dma_wait3A_169 = arith.constant 0 : i32
    %dma_wait3A_170 = tpu.memref_slice %arg3[%dma_wait3A_168, %dma_wait3A_169] : memref<1024x128xf32, #tpu.memory_space<hbm>> -> memref<1024x128xf32, #tpu.memory_space<hbm>>
    tpu.wait_indirect_dma semaphore(%arg7 : memref<!tpu.dma_semaphore, #tpu.memory_space<semaphore_mem>>) src(%dma_wait3A_170 : memref<1024x128xf32, #tpu.memory_space<hbm>>) dst(%dma_wait3A_164 : memref<128x128xf32, #tpu.memory_space<vmem>>)
    %run_scoped3A_171 = arith.constant 1 : i32
    "tpu.region"() ({
      %run_scoped3A_198 = tpu.sem_alloc : memref<!tpu.dma_semaphore, #tpu.memory_space<semaphore_mem>>
      %dma_start3A_199 = arith.constant 0 : i32
      %dma_start3A_200 = arith.constant 0 : i32
      %dma_start3A_201 = tpu.memref_slice %arg6[%run_scoped3A_171, %dma_start3A_199, %dma_start3A_200] : memref<4x128x128xf32, #tpu.memory_space<vmem>> -> memref<1x128x128xf32, #tpu.memory_space<vmem>>
      %dma_start3A_202 = tpu.memref_squeeze %dma_start3A_201 : memref<1x128x128xf32, #tpu.memory_space<vmem>> -> memref<128x128xf32, #tpu.memory_space<vmem>>
      %dma_start3A_203 = arith.constant 640 : i32
      %dma_start3A_204 = arith.constant 0 : i32
      %dma_start3A_205 = tpu.memref_slice %arg4[%add3A, %dma_start3A_203, %dma_start3A_204] : memref<32x1024x128xf32, #tpu.memory_space<hbm>> -> memref<1x128x128xf32, #tpu.memory_space<hbm>>
      %dma_start3A_206 = tpu.memref_squeeze %dma_start3A_205 : memref<1x128x128xf32, #tpu.memory_space<hbm>> -> memref<128x128xf32, #tpu.memory_space<hbm>>
      %dma_start3A_207 = arith.constant 640 : i32
      %dma_start3A_208 = arith.constant 0 : i32
      %dma_start3A_209 = tpu.memref_slice %arg4[%add3A, %dma_start3A_207, %dma_start3A_208] : memref<32x1024x128xf32, #tpu.memory_space<hbm>> -> memref<1x128x128xf32, #tpu.memory_space<hbm>>
      %dma_start3A_210 = tpu.memref_squeeze %dma_start3A_209 : memref<1x128x128xf32, #tpu.memory_space<hbm>> -> memref<128x128xf32, #tpu.memory_space<hbm>>
      %dma_start3A_211 = arith.constant 0 : i32
      %dma_start3A_212 = arith.constant 0 : i32
      %dma_start3A_213 = tpu.memref_slice %arg6[%run_scoped3A_171, %dma_start3A_211, %dma_start3A_212] : memref<4x128x128xf32, #tpu.memory_space<vmem>> -> memref<1x128x128xf32, #tpu.memory_space<vmem>>
      %dma_start3A_214 = tpu.memref_squeeze %dma_start3A_213 : memref<1x128x128xf32, #tpu.memory_space<vmem>> -> memref<128x128xf32, #tpu.memory_space<vmem>>
      tpu.enqueue_dma source(%dma_start3A_214 : memref<128x128xf32, #tpu.memory_space<vmem>>) target(%dma_start3A_210 : memref<128x128xf32, #tpu.memory_space<hbm>>) target_semaphore(%run_scoped3A_198 : memref<!tpu.dma_semaphore, #tpu.memory_space<semaphore_mem>>)
      %dma_wait3A_215 = arith.constant 0 : i32
      %dma_wait3A_216 = arith.constant 0 : i32
      %dma_wait3A_217 = tpu.memref_slice %arg6[%run_scoped3A_171, %dma_wait3A_215, %dma_wait3A_216] : memref<4x128x128xf32, #tpu.memory_space<vmem>> -> memref<1x128x128xf32, #tpu.memory_space<vmem>>
      %dma_wait3A_218 = tpu.memref_squeeze %dma_wait3A_217 : memref<1x128x128xf32, #tpu.memory_space<vmem>> -> memref<128x128xf32, #tpu.memory_space<vmem>>
      %dma_wait3A_219 = arith.constant 640 : i32
      %dma_wait3A_220 = arith.constant 0 : i32
      %dma_wait3A_221 = tpu.memref_slice %arg4[%add3A, %dma_wait3A_219, %dma_wait3A_220] : memref<32x1024x128xf32, #tpu.memory_space<hbm>> -> memref<1x128x128xf32, #tpu.memory_space<hbm>>
      %dma_wait3A_222 = tpu.memref_squeeze %dma_wait3A_221 : memref<1x128x128xf32, #tpu.memory_space<hbm>> -> memref<128x128xf32, #tpu.memory_space<hbm>>
      %dma_wait3A_223 = arith.constant 640 : i32
      %dma_wait3A_224 = arith.constant 0 : i32
      %dma_wait3A_225 = tpu.memref_slice %arg4[%add3A, %dma_wait3A_223, %dma_wait3A_224] : memref<32x1024x128xf32, #tpu.memory_space<hbm>> -> memref<1x128x128xf32, #tpu.memory_space<hbm>>
      %dma_wait3A_226 = tpu.memref_squeeze %dma_wait3A_225 : memref<1x128x128xf32, #tpu.memory_space<hbm>> -> memref<128x128xf32, #tpu.memory_space<hbm>>
      %dma_wait3A_227 = arith.constant 0 : i32
      %dma_wait3A_228 = arith.constant 0 : i32
      %dma_wait3A_229 = tpu.memref_slice %arg6[%run_scoped3A_171, %dma_wait3A_227, %dma_wait3A_228] : memref<4x128x128xf32, #tpu.memory_space<vmem>> -> memref<1x128x128xf32, #tpu.memory_space<vmem>>
      %dma_wait3A_230 = tpu.memref_squeeze %dma_wait3A_229 : memref<1x128x128xf32, #tpu.memory_space<vmem>> -> memref<128x128xf32, #tpu.memory_space<vmem>>
      tpu.wait_dma2 semaphore(%run_scoped3A_198 : memref<!tpu.dma_semaphore, #tpu.memory_space<semaphore_mem>>) src(%dma_wait3A_230 : memref<128x128xf32, #tpu.memory_space<vmem>>) dst(%dma_wait3A_226 : memref<128x128xf32, #tpu.memory_space<hbm>>)
      tpu.yield
    }) : () -> ()
    %dma_wait3A_172 = arith.constant 6 : i32
    %dma_wait3A_173 = arith.constant 2 : i32
    %dma_wait3A_174 = arith.constant 0 : i32
    %dma_wait3A_175 = arith.constant 0 : i32
    %dma_wait3A_176 = tpu.memref_slice %arg6[%dma_wait3A_173, %dma_wait3A_174, %dma_wait3A_175] : memref<4x128x128xf32, #tpu.memory_space<vmem>> -> memref<1x128x128xf32, #tpu.memory_space<vmem>>
    %dma_wait3A_177 = tpu.memref_squeeze %dma_wait3A_176 : memref<1x128x128xf32, #tpu.memory_space<vmem>> -> memref<128x128xf32, #tpu.memory_space<vmem>>
    %dma_wait3A_178 = arith.constant 0 : i32
    %dma_wait3A_179 = tpu.memref_slice %arg5[%dma_wait3A_172, %dma_wait3A_178] : memref<8x128xi32, #tpu.memory_space<vmem>> -> memref<1x128xi32, #tpu.memory_space<vmem>>
    %dma_wait3A_180 = tpu.memref_squeeze %dma_wait3A_179 : memref<1x128xi32, #tpu.memory_space<vmem>> -> memref<128xi32, #tpu.memory_space<vmem>>
    %dma_wait3A_181 = arith.constant 0 : i32
    %dma_wait3A_182 = arith.constant 0 : i32
    %dma_wait3A_183 = tpu.memref_slice %arg3[%dma_wait3A_181, %dma_wait3A_182] : memref<1024x128xf32, #tpu.memory_space<hbm>> -> memref<1024x128xf32, #tpu.memory_space<hbm>>
    tpu.wait_indirect_dma semaphore(%arg7 : memref<!tpu.dma_semaphore, #tpu.memory_space<semaphore_mem>>) src(%dma_wait3A_183 : memref<1024x128xf32, #tpu.memory_space<hbm>>) dst(%dma_wait3A_177 : memref<128x128xf32, #tpu.memory_space<vmem>>)
    %run_scoped3A_184 = arith.constant 2 : i32
    "tpu.region"() ({
      %run_scoped3A_198 = tpu.sem_alloc : memref<!tpu.dma_semaphore, #tpu.memory_space<semaphore_mem>>
      %dma_start3A_199 = arith.constant 0 : i32
      %dma_start3A_200 = arith.constant 0 : i32
      %dma_start3A_201 = tpu.memref_slice %arg6[%run_scoped3A_184, %dma_start3A_199, %dma_start3A_200] : memref<4x128x128xf32, #tpu.memory_space<vmem>> -> memref<1x128x128xf32, #tpu.memory_space<vmem>>
      %dma_start3A_202 = tpu.memref_squeeze %dma_start3A_201 : memref<1x128x128xf32, #tpu.memory_space<vmem>> -> memref<128x128xf32, #tpu.memory_space<vmem>>
      %dma_start3A_203 = arith.constant 768 : i32
      %dma_start3A_204 = arith.constant 0 : i32
      %dma_start3A_205 = tpu.memref_slice %arg4[%add3A, %dma_start3A_203, %dma_start3A_204] : memref<32x1024x128xf32, #tpu.memory_space<hbm>> -> memref<1x128x128xf32, #tpu.memory_space<hbm>>
      %dma_start3A_206 = tpu.memref_squeeze %dma_start3A_205 : memref<1x128x128xf32, #tpu.memory_space<hbm>> -> memref<128x128xf32, #tpu.memory_space<hbm>>
      %dma_start3A_207 = arith.constant 768 : i32
      %dma_start3A_208 = arith.constant 0 : i32
      %dma_start3A_209 = tpu.memref_slice %arg4[%add3A, %dma_start3A_207, %dma_start3A_208] : memref<32x1024x128xf32, #tpu.memory_space<hbm>> -> memref<1x128x128xf32, #tpu.memory_space<hbm>>
      %dma_start3A_210 = tpu.memref_squeeze %dma_start3A_209 : memref<1x128x128xf32, #tpu.memory_space<hbm>> -> memref<128x128xf32, #tpu.memory_space<hbm>>
      %dma_start3A_211 = arith.constant 0 : i32
      %dma_start3A_212 = arith.constant 0 : i32
      %dma_start3A_213 = tpu.memref_slice %arg6[%run_scoped3A_184, %dma_start3A_211, %dma_start3A_212] : memref<4x128x128xf32, #tpu.memory_space<vmem>> -> memref<1x128x128xf32, #tpu.memory_space<vmem>>
      %dma_start3A_214 = tpu.memref_squeeze %dma_start3A_213 : memref<1x128x128xf32, #tpu.memory_space<vmem>> -> memref<128x128xf32, #tpu.memory_space<vmem>>
      tpu.enqueue_dma source(%dma_start3A_214 : memref<128x128xf32, #tpu.memory_space<vmem>>) target(%dma_start3A_210 : memref<128x128xf32, #tpu.memory_space<hbm>>) target_semaphore(%run_scoped3A_198 : memref<!tpu.dma_semaphore, #tpu.memory_space<semaphore_mem>>)
      %dma_wait3A_215 = arith.constant 0 : i32
      %dma_wait3A_216 = arith.constant 0 : i32
      %dma_wait3A_217 = tpu.memref_slice %arg6[%run_scoped3A_184, %dma_wait3A_215, %dma_wait3A_216] : memref<4x128x128xf32, #tpu.memory_space<vmem>> -> memref<1x128x128xf32, #tpu.memory_space<vmem>>
      %dma_wait3A_218 = tpu.memref_squeeze %dma_wait3A_217 : memref<1x128x128xf32, #tpu.memory_space<vmem>> -> memref<128x128xf32, #tpu.memory_space<vmem>>
      %dma_wait3A_219 = arith.constant 768 : i32
      %dma_wait3A_220 = arith.constant 0 : i32
      %dma_wait3A_221 = tpu.memref_slice %arg4[%add3A, %dma_wait3A_219, %dma_wait3A_220] : memref<32x1024x128xf32, #tpu.memory_space<hbm>> -> memref<1x128x128xf32, #tpu.memory_space<hbm>>
      %dma_wait3A_222 = tpu.memref_squeeze %dma_wait3A_221 : memref<1x128x128xf32, #tpu.memory_space<hbm>> -> memref<128x128xf32, #tpu.memory_space<hbm>>
      %dma_wait3A_223 = arith.constant 768 : i32
      %dma_wait3A_224 = arith.constant 0 : i32
      %dma_wait3A_225 = tpu.memref_slice %arg4[%add3A, %dma_wait3A_223, %dma_wait3A_224] : memref<32x1024x128xf32, #tpu.memory_space<hbm>> -> memref<1x128x128xf32, #tpu.memory_space<hbm>>
      %dma_wait3A_226 = tpu.memref_squeeze %dma_wait3A_225 : memref<1x128x128xf32, #tpu.memory_space<hbm>> -> memref<128x128xf32, #tpu.memory_space<hbm>>
      %dma_wait3A_227 = arith.constant 0 : i32
      %dma_wait3A_228 = arith.constant 0 : i32
      %dma_wait3A_229 = tpu.memref_slice %arg6[%run_scoped3A_184, %dma_wait3A_227, %dma_wait3A_228] : memref<4x128x128xf32, #tpu.memory_space<vmem>> -> memref<1x128x128xf32, #tpu.memory_space<vmem>>
      %dma_wait3A_230 = tpu.memref_squeeze %dma_wait3A_229 : memref<1x128x128xf32, #tpu.memory_space<vmem>> -> memref<128x128xf32, #tpu.memory_space<vmem>>
      tpu.wait_dma2 semaphore(%run_scoped3A_198 : memref<!tpu.dma_semaphore, #tpu.memory_space<semaphore_mem>>) src(%dma_wait3A_230 : memref<128x128xf32, #tpu.memory_space<vmem>>) dst(%dma_wait3A_226 : memref<128x128xf32, #tpu.memory_space<hbm>>)
      tpu.yield
    }) : () -> ()
    %dma_wait3A_185 = arith.constant 7 : i32
    %dma_wait3A_186 = arith.constant 3 : i32
    %dma_wait3A_187 = arith.constant 0 : i32
    %dma_wait3A_188 = arith.constant 0 : i32
    %dma_wait3A_189 = tpu.memref_slice %arg6[%dma_wait3A_186, %dma_wait3A_187, %dma_wait3A_188] : memref<4x128x128xf32, #tpu.memory_space<vmem>> -> memref<1x128x128xf32, #tpu.memory_space<vmem>>
    %dma_wait3A_190 = tpu.memref_squeeze %dma_wait3A_189 : memref<1x128x128xf32, #tpu.memory_space<vmem>> -> memref<128x128xf32, #tpu.memory_space<vmem>>
    %dma_wait3A_191 = arith.constant 0 : i32
    %dma_wait3A_192 = tpu.memref_slice %arg5[%dma_wait3A_185, %dma_wait3A_191] : memref<8x128xi32, #tpu.memory_space<vmem>> -> memref<1x128xi32, #tpu.memory_space<vmem>>
    %dma_wait3A_193 = tpu.memref_squeeze %dma_wait3A_192 : memref<1x128xi32, #tpu.memory_space<vmem>> -> memref<128xi32, #tpu.memory_space<vmem>>
    %dma_wait3A_194 = arith.constant 0 : i32
    %dma_wait3A_195 = arith.constant 0 : i32
    %dma_wait3A_196 = tpu.memref_slice %arg3[%dma_wait3A_194, %dma_wait3A_195] : memref<1024x128xf32, #tpu.memory_space<hbm>> -> memref<1024x128xf32, #tpu.memory_space<hbm>>
    tpu.wait_indirect_dma semaphore(%arg7 : memref<!tpu.dma_semaphore, #tpu.memory_space<semaphore_mem>>) src(%dma_wait3A_196 : memref<1024x128xf32, #tpu.memory_space<hbm>>) dst(%dma_wait3A_190 : memref<128x128xf32, #tpu.memory_space<vmem>>)
    %run_scoped3A_197 = arith.constant 3 : i32
    "tpu.region"() ({
      %run_scoped3A_198 = tpu.sem_alloc : memref<!tpu.dma_semaphore, #tpu.memory_space<semaphore_mem>>
      %dma_start3A_199 = arith.constant 0 : i32
      %dma_start3A_200 = arith.constant 0 : i32
      %dma_start3A_201 = tpu.memref_slice %arg6[%run_scoped3A_197, %dma_start3A_199, %dma_start3A_200] : memref<4x128x128xf32, #tpu.memory_space<vmem>> -> memref<1x128x128xf32, #tpu.memory_space<vmem>>
      %dma_start3A_202 = tpu.memref_squeeze %dma_start3A_201 : memref<1x128x128xf32, #tpu.memory_space<vmem>> -> memref<128x128xf32, #tpu.memory_space<vmem>>
      %dma_start3A_203 = arith.constant 896 : i32
      %dma_start3A_204 = arith.constant 0 : i32
      %dma_start3A_205 = tpu.memref_slice %arg4[%add3A, %dma_start3A_203, %dma_start3A_204] : memref<32x1024x128xf32, #tpu.memory_space<hbm>> -> memref<1x128x128xf32, #tpu.memory_space<hbm>>
      %dma_start3A_206 = tpu.memref_squeeze %dma_start3A_205 : memref<1x128x128xf32, #tpu.memory_space<hbm>> -> memref<128x128xf32, #tpu.memory_space<hbm>>
      %dma_start3A_207 = arith.constant 896 : i32
      %dma_start3A_208 = arith.constant 0 : i32
      %dma_start3A_209 = tpu.memref_slice %arg4[%add3A, %dma_start3A_207, %dma_start3A_208] : memref<32x1024x128xf32, #tpu.memory_space<hbm>> -> memref<1x128x128xf32, #tpu.memory_space<hbm>>
      %dma_start3A_210 = tpu.memref_squeeze %dma_start3A_209 : memref<1x128x128xf32, #tpu.memory_space<hbm>> -> memref<128x128xf32, #tpu.memory_space<hbm>>
      %dma_start3A_211 = arith.constant 0 : i32
      %dma_start3A_212 = arith.constant 0 : i32
      %dma_start3A_213 = tpu.memref_slice %arg6[%run_scoped3A_197, %dma_start3A_211, %dma_start3A_212] : memref<4x128x128xf32, #tpu.memory_space<vmem>> -> memref<1x128x128xf32, #tpu.memory_space<vmem>>
      %dma_start3A_214 = tpu.memref_squeeze %dma_start3A_213 : memref<1x128x128xf32, #tpu.memory_space<vmem>> -> memref<128x128xf32, #tpu.memory_space<vmem>>
      tpu.enqueue_dma source(%dma_start3A_214 : memref<128x128xf32, #tpu.memory_space<vmem>>) target(%dma_start3A_210 : memref<128x128xf32, #tpu.memory_space<hbm>>) target_semaphore(%run_scoped3A_198 : memref<!tpu.dma_semaphore, #tpu.memory_space<semaphore_mem>>)
      %dma_wait3A_215 = arith.constant 0 : i32
      %dma_wait3A_216 = arith.constant 0 : i32
      %dma_wait3A_217 = tpu.memref_slice %arg6[%run_scoped3A_197, %dma_wait3A_215, %dma_wait3A_216] : memref<4x128x128xf32, #tpu.memory_space<vmem>> -> memref<1x128x128xf32, #tpu.memory_space<vmem>>
      %dma_wait3A_218 = tpu.memref_squeeze %dma_wait3A_217 : memref<1x128x128xf32, #tpu.memory_space<vmem>> -> memref<128x128xf32, #tpu.memory_space<vmem>>
      %dma_wait3A_219 = arith.constant 896 : i32
      %dma_wait3A_220 = arith.constant 0 : i32
      %dma_wait3A_221 = tpu.memref_slice %arg4[%add3A, %dma_wait3A_219, %dma_wait3A_220] : memref<32x1024x128xf32, #tpu.memory_space<hbm>> -> memref<1x128x128xf32, #tpu.memory_space<hbm>>
      %dma_wait3A_222 = tpu.memref_squeeze %dma_wait3A_221 : memref<1x128x128xf32, #tpu.memory_space<hbm>> -> memref<128x128xf32, #tpu.memory_space<hbm>>
      %dma_wait3A_223 = arith.constant 896 : i32
      %dma_wait3A_224 = arith.constant 0 : i32
      %dma_wait3A_225 = tpu.memref_slice %arg4[%add3A, %dma_wait3A_223, %dma_wait3A_224] : memref<32x1024x128xf32, #tpu.memory_space<hbm>> -> memref<1x128x128xf32, #tpu.memory_space<hbm>>
      %dma_wait3A_226 = tpu.memref_squeeze %dma_wait3A_225 : memref<1x128x128xf32, #tpu.memory_space<hbm>> -> memref<128x128xf32, #tpu.memory_space<hbm>>
      %dma_wait3A_227 = arith.constant 0 : i32
      %dma_wait3A_228 = arith.constant 0 : i32
      %dma_wait3A_229 = tpu.memref_slice %arg6[%run_scoped3A_197, %dma_wait3A_227, %dma_wait3A_228] : memref<4x128x128xf32, #tpu.memory_space<vmem>> -> memref<1x128x128xf32, #tpu.memory_space<vmem>>
      %dma_wait3A_230 = tpu.memref_squeeze %dma_wait3A_229 : memref<1x128x128xf32, #tpu.memory_space<vmem>> -> memref<128x128xf32, #tpu.memory_space<vmem>>
      tpu.wait_dma2 semaphore(%run_scoped3A_198 : memref<!tpu.dma_semaphore, #tpu.memory_space<semaphore_mem>>) src(%dma_wait3A_230 : memref<128x128xf32, #tpu.memory_space<vmem>>) dst(%dma_wait3A_226 : memref<128x128xf32, #tpu.memory_space<hbm>>)
      tpu.yield
    }) : () -> ()
    return
  }
}

module attributes {stable_mosaic.version = 14 : i64} {
  func.func @_tc_body(%arg0: i32, %arg1: memref<2048x64xf32, #tpu.memory_space<vmem>>, %arg2: memref<1024x64xf32, #tpu.memory_space<vmem>>, %arg3: memref<2x8x128xi32, #tpu.memory_space<vmem>>, %arg4: memref<1x1xf32, #tpu.memory_space<vmem>>, %arg5: memref<1024x64xf32, #tpu.memory_space<vmem>>, %arg6: memref<1024x1xf32, #tpu.memory_space<vmem>>, %arg7: memref<1024x1xf32, #tpu.memory_space<vmem>>) attributes {dimension_semantics = [#tpu.dimension_semantics<arbitrary>], iteration_bounds = array<i64: 16>, scalar_prefetch = 0 : i64, scratch_operands = 3 : i64, tpu.core_type = #tpu.core_type<tc>, window_params = [{transform_indices = @transform_0, window_bounds = array<i64: 2048, 64>}, {pipeline_mode = #tpu.pipeline_mode<synchronous>, transform_indices = @transform_1, window_bounds = array<i64: 1024, 64>}, {transform_indices = @transform_2, window_bounds = array<i64: 2, 8, 128>}, {pipeline_mode = #tpu.pipeline_mode<synchronous>, transform_indices = @transform_3, window_bounds = array<i64: 1, 1>}]} {
    %eq3A = arith.constant 0 : i32
    %eq3A_0 = arith.cmpi eq, %arg0, %eq3A : i32
    %convert_element_type3A = arith.extui %eq3A_0 : i1 to i32
    %cond3A = arith.constant 0 : i32
    %cond3A_1 = arith.cmpi ne, %convert_element_type3A, %cond3A : i32
    scf.if %cond3A_1 {
      %get3A_1052 = arith.constant 0 : index
      %get3A_1053 = arith.constant 0 : index
      %get3A_1054 = vector.load %arg2[%get3A_1052, %get3A_1053] : memref<1024x64xf32, #tpu.memory_space<vmem>>, vector<1024x64xf32>
      %mul3A_1055 = arith.constant -2.000000e+00 : f32
      %mul3A_1056 = vector.broadcast %mul3A_1055 : f32 to vector<1024x64xf32>
      %mul3A_1057 = arith.mulf %mul3A_1056, %get3A_1054 : vector<1024x64xf32>
      %swap3A_1058 = arith.constant 0 : index
      %swap3A_1059 = arith.constant 0 : index
      %swap3A_1060 = vector.load %arg5[%swap3A_1058, %swap3A_1059] : memref<1024x64xf32, #tpu.memory_space<vmem>>, vector<1024x64xf32>
      tpu.vector_store %arg5[%swap3A_1058, %swap3A_1059], %mul3A_1057 {strides = array<i32>} : memref<1024x64xf32, #tpu.memory_space<vmem>>, vector<1024x64xf32>,
      %mul3A_1061 = arith.mulf %get3A_1054, %get3A_1054 : vector<1024x64xf32>
      %reduce_sum3A_1062 = arith.constant dense<0.000000e+00> : vector<1024xf32>
      %reduce_sum3A_1063 = vector.multi_reduction <add>, %mul3A_1061, %reduce_sum3A_1062 [1] : vector<1024x64xf32> to vector<1024xf32>
      %broadcast_in_dim3A_1064 = vector.shape_cast %reduce_sum3A_1063 : vector<1024xf32> to vector<1024x1xf32>
      %swap3A_1065 = arith.constant 0 : index
      %swap3A_1066 = arith.constant 0 : index
      %swap3A_1067 = vector.load %arg6[%swap3A_1065, %swap3A_1066] : memref<1024x1xf32, #tpu.memory_space<vmem>>, vector<1024x1xf32>
      tpu.vector_store %arg6[%swap3A_1065, %swap3A_1066], %broadcast_in_dim3A_1064 {strides = array<i32>} : memref<1024x1xf32, #tpu.memory_space<vmem>>, vector<1024x1xf32>,
      %iota3A = tpu.iota {dimensions = array<i32: 0>} : vector<1024x1xi32>
      %convert_element_type3A_1068 = arith.sitofp %iota3A : vector<1024x1xi32> to vector<1024x1xf32>
      %swap3A_1069 = arith.constant 0 : index
      %swap3A_1070 = arith.constant 0 : index
      %swap3A_1071 = vector.load %arg7[%swap3A_1069, %swap3A_1070] : memref<1024x1xf32, #tpu.memory_space<vmem>>, vector<1024x1xf32>
      tpu.vector_store %arg7[%swap3A_1069, %swap3A_1070], %convert_element_type3A_1068 {strides = array<i32>} : memref<1024x1xf32, #tpu.memory_space<vmem>>, vector<1024x1xf32>,
      %broadcast_in_dim3A_1072 = arith.constant 0.000000e+00 : f32
      %broadcast_in_dim3A_1073 = vector.broadcast %broadcast_in_dim3A_1072 : f32 to vector<1x1xf32>
      %swap3A_1074 = arith.constant 0 : index
      %swap3A_1075 = arith.constant 0 : index
      %swap3A_1076 = vector.load %arg4[%swap3A_1074, %swap3A_1075] : memref<1x1xf32, #tpu.memory_space<vmem>>, vector<1x1xf32>
      tpu.vector_store %arg4[%swap3A_1074, %swap3A_1075], %broadcast_in_dim3A_1073 {strides = array<i32>} : memref<1x1xf32, #tpu.memory_space<vmem>>, vector<1x1xf32>,
    } else {
    }
    %get3A = arith.constant 0 : index
    %get3A_2 = arith.constant 0 : index
    %get3A_3 = vector.load %arg1[%get3A, %get3A_2] : memref<2048x64xf32, #tpu.memory_space<vmem>>, vector<2048x64xf32>
    %mul3A = arith.mulf %get3A_3, %get3A_3 : vector<2048x64xf32>
    %reduce_sum3A = arith.constant dense<0.000000e+00> : vector<2048xf32>
    %reduce_sum3A_4 = vector.multi_reduction <add>, %mul3A, %reduce_sum3A [1] : vector<2048x64xf32> to vector<2048xf32>
    %broadcast_in_dim3A = vector.shape_cast %reduce_sum3A_4 : vector<2048xf32> to vector<2048x1xf32>
    %transpose3A = tpu.transpose %broadcast_in_dim3A, [1, 0] : vector<2048x1xf32> -> vector<1x2048xf32>
    %get3A_5 = arith.constant 0 : index
    %get3A_6 = arith.constant 0 : index
    %get3A_7 = vector.load %arg5[%get3A_5, %get3A_6] : memref<1024x64xf32, #tpu.memory_space<vmem>>, vector<1024x64xf32>
    %dot_general3A = arith.constant dense<0.000000e+00> : vector<1024x2048xf32>
    %dot_general3A_8 = tpu.matmul %get3A_7, %get3A_3, %dot_general3A {dimension_numbers = #tpu.dot_dimension_numbers<[1], [1], [0], [0], [0, 0, 1, 0], [], []>, transpose_lhs_hint = false} : vector<1024x64xf32>, vector<2048x64xf32>, vector<1024x2048xf32> -> vector<1024x2048xf32>
    %get3A_9 = arith.constant 0 : index
    %get3A_10 = arith.constant 0 : index
    %get3A_11 = vector.load %arg6[%get3A_9, %get3A_10] : memref<1024x1xf32, #tpu.memory_space<vmem>>, vector<16x1xf32>
    %get3A_12 = arith.constant 0 : index
    %get3A_13 = arith.constant 0 : index
    %get3A_14 = vector.load %arg7[%get3A_12, %get3A_13] : memref<1024x1xf32, #tpu.memory_space<vmem>>, vector<16x1xf32>
    %add3A = vector.broadcast %transpose3A : vector<1x2048xf32> to vector<16x2048xf32>
    %add3A_15 = vector.broadcast %get3A_11 : vector<16x1xf32> to vector<16x2048xf32>
    %add3A_16 = arith.addf %add3A, %add3A_15 : vector<16x2048xf32>
    %slice3A = vector.extract_strided_slice %dot_general3A_8 {offsets = [0, 0], sizes = [16, 2048], strides = [1, 1]} : vector<1024x2048xf32> to vector<16x2048xf32>
    %add3A_17 = arith.addf %add3A_16, %slice3A : vector<16x2048xf32>
    %broadcast_in_dim3A_18 = vector.shape_cast %get3A_14 : vector<16x1xf32> to vector<16x1xf32>
    %broadcast_in_dim3A_19 = vector.broadcast %broadcast_in_dim3A_18 : vector<16x1xf32> to vector<16x2048xf32>
    %get3A_20 = arith.constant 16 : index
    %get3A_21 = arith.constant 0 : index
    %get3A_22 = vector.load %arg6[%get3A_20, %get3A_21] : memref<1024x1xf32, #tpu.memory_space<vmem>>, vector<16x1xf32>
    %get3A_23 = arith.constant 16 : index
    %get3A_24 = arith.constant 0 : index
    %get3A_25 = vector.load %arg7[%get3A_23, %get3A_24] : memref<1024x1xf32, #tpu.memory_space<vmem>>, vector<16x1xf32>
    %add3A_26 = vector.broadcast %transpose3A : vector<1x2048xf32> to vector<16x2048xf32>
    %add3A_27 = vector.broadcast %get3A_22 : vector<16x1xf32> to vector<16x2048xf32>
    %add3A_28 = arith.addf %add3A_26, %add3A_27 : vector<16x2048xf32>
    %slice3A_29 = vector.extract_strided_slice %dot_general3A_8 {offsets = [16, 0], sizes = [16, 2048], strides = [1, 1]} : vector<1024x2048xf32> to vector<16x2048xf32>
    %add3A_30 = arith.addf %add3A_28, %slice3A_29 : vector<16x2048xf32>
    %lt3A = arith.cmpf olt, %add3A_30, %add3A_17 : vector<16x2048xf32>
    %min3A = arith.minimumf %add3A_30, %add3A_17 : vector<16x2048xf32>
    %broadcast_in_dim3A_31 = vector.shape_cast %get3A_25 : vector<16x1xf32> to vector<16x1xf32>
    %broadcast_in_dim3A_32 = vector.broadcast %broadcast_in_dim3A_31 : vector<16x1xf32> to vector<16x2048xf32>
    %select_n3A = arith.select %lt3A, %broadcast_in_dim3A_32, %broadcast_in_dim3A_19 : vector<16x2048xi1>, vector<16x2048xf32>
    %get3A_33 = arith.constant 32 : index
    %get3A_34 = arith.constant 0 : index
    %get3A_35 = vector.load %arg6[%get3A_33, %get3A_34] : memref<1024x1xf32, #tpu.memory_space<vmem>>, vector<16x1xf32>
    %get3A_36 = arith.constant 32 : index
    %get3A_37 = arith.constant 0 : index
    %get3A_38 = vector.load %arg7[%get3A_36, %get3A_37] : memref<1024x1xf32, #tpu.memory_space<vmem>>, vector<16x1xf32>
    %add3A_39 = vector.broadcast %transpose3A : vector<1x2048xf32> to vector<16x2048xf32>
    %add3A_40 = vector.broadcast %get3A_35 : vector<16x1xf32> to vector<16x2048xf32>
    %add3A_41 = arith.addf %add3A_39, %add3A_40 : vector<16x2048xf32>
    %slice3A_42 = vector.extract_strided_slice %dot_general3A_8 {offsets = [32, 0], sizes = [16, 2048], strides = [1, 1]} : vector<1024x2048xf32> to vector<16x2048xf32>
    %add3A_43 = arith.addf %add3A_41, %slice3A_42 : vector<16x2048xf32>
    %lt3A_44 = arith.cmpf olt, %add3A_43, %min3A : vector<16x2048xf32>
    %min3A_45 = arith.minimumf %add3A_43, %min3A : vector<16x2048xf32>
    %broadcast_in_dim3A_46 = vector.shape_cast %get3A_38 : vector<16x1xf32> to vector<16x1xf32>
    %broadcast_in_dim3A_47 = vector.broadcast %broadcast_in_dim3A_46 : vector<16x1xf32> to vector<16x2048xf32>
    %select_n3A_48 = arith.select %lt3A_44, %broadcast_in_dim3A_47, %select_n3A : vector<16x2048xi1>, vector<16x2048xf32>
    %get3A_49 = arith.constant 48 : index
    %get3A_50 = arith.constant 0 : index
    %get3A_51 = vector.load %arg6[%get3A_49, %get3A_50] : memref<1024x1xf32, #tpu.memory_space<vmem>>, vector<16x1xf32>
    %get3A_52 = arith.constant 48 : index
    %get3A_53 = arith.constant 0 : index
    %get3A_54 = vector.load %arg7[%get3A_52, %get3A_53] : memref<1024x1xf32, #tpu.memory_space<vmem>>, vector<16x1xf32>
    %add3A_55 = vector.broadcast %transpose3A : vector<1x2048xf32> to vector<16x2048xf32>
    %add3A_56 = vector.broadcast %get3A_51 : vector<16x1xf32> to vector<16x2048xf32>
    %add3A_57 = arith.addf %add3A_55, %add3A_56 : vector<16x2048xf32>
    %slice3A_58 = vector.extract_strided_slice %dot_general3A_8 {offsets = [48, 0], sizes = [16, 2048], strides = [1, 1]} : vector<1024x2048xf32> to vector<16x2048xf32>
    %add3A_59 = arith.addf %add3A_57, %slice3A_58 : vector<16x2048xf32>
    %lt3A_60 = arith.cmpf olt, %add3A_59, %min3A_45 : vector<16x2048xf32>
    %min3A_61 = arith.minimumf %add3A_59, %min3A_45 : vector<16x2048xf32>
    %broadcast_in_dim3A_62 = vector.shape_cast %get3A_54 : vector<16x1xf32> to vector<16x1xf32>
    %broadcast_in_dim3A_63 = vector.broadcast %broadcast_in_dim3A_62 : vector<16x1xf32> to vector<16x2048xf32>
    %select_n3A_64 = arith.select %lt3A_60, %broadcast_in_dim3A_63, %select_n3A_48 : vector<16x2048xi1>, vector<16x2048xf32>
    %get3A_65 = arith.constant 64 : index
    %get3A_66 = arith.constant 0 : index
    %get3A_67 = vector.load %arg6[%get3A_65, %get3A_66] : memref<1024x1xf32, #tpu.memory_space<vmem>>, vector<16x1xf32>
    %get3A_68 = arith.constant 64 : index
    %get3A_69 = arith.constant 0 : index
    %get3A_70 = vector.load %arg7[%get3A_68, %get3A_69] : memref<1024x1xf32, #tpu.memory_space<vmem>>, vector<16x1xf32>
    %add3A_71 = vector.broadcast %transpose3A : vector<1x2048xf32> to vector<16x2048xf32>
    %add3A_72 = vector.broadcast %get3A_67 : vector<16x1xf32> to vector<16x2048xf32>
    %add3A_73 = arith.addf %add3A_71, %add3A_72 : vector<16x2048xf32>
    %slice3A_74 = vector.extract_strided_slice %dot_general3A_8 {offsets = [64, 0], sizes = [16, 2048], strides = [1, 1]} : vector<1024x2048xf32> to vector<16x2048xf32>
    %add3A_75 = arith.addf %add3A_73, %slice3A_74 : vector<16x2048xf32>
    %lt3A_76 = arith.cmpf olt, %add3A_75, %min3A_61 : vector<16x2048xf32>
    %min3A_77 = arith.minimumf %add3A_75, %min3A_61 : vector<16x2048xf32>
    %broadcast_in_dim3A_78 = vector.shape_cast %get3A_70 : vector<16x1xf32> to vector<16x1xf32>
    %broadcast_in_dim3A_79 = vector.broadcast %broadcast_in_dim3A_78 : vector<16x1xf32> to vector<16x2048xf32>
    %select_n3A_80 = arith.select %lt3A_76, %broadcast_in_dim3A_79, %select_n3A_64 : vector<16x2048xi1>, vector<16x2048xf32>
    %get3A_81 = arith.constant 80 : index
    %get3A_82 = arith.constant 0 : index
    %get3A_83 = vector.load %arg6[%get3A_81, %get3A_82] : memref<1024x1xf32, #tpu.memory_space<vmem>>, vector<16x1xf32>
    %get3A_84 = arith.constant 80 : index
    %get3A_85 = arith.constant 0 : index
    %get3A_86 = vector.load %arg7[%get3A_84, %get3A_85] : memref<1024x1xf32, #tpu.memory_space<vmem>>, vector<16x1xf32>
    %add3A_87 = vector.broadcast %transpose3A : vector<1x2048xf32> to vector<16x2048xf32>
    %add3A_88 = vector.broadcast %get3A_83 : vector<16x1xf32> to vector<16x2048xf32>
    %add3A_89 = arith.addf %add3A_87, %add3A_88 : vector<16x2048xf32>
    %slice3A_90 = vector.extract_strided_slice %dot_general3A_8 {offsets = [80, 0], sizes = [16, 2048], strides = [1, 1]} : vector<1024x2048xf32> to vector<16x2048xf32>
    %add3A_91 = arith.addf %add3A_89, %slice3A_90 : vector<16x2048xf32>
    %lt3A_92 = arith.cmpf olt, %add3A_91, %min3A_77 : vector<16x2048xf32>
    %min3A_93 = arith.minimumf %add3A_91, %min3A_77 : vector<16x2048xf32>
    %broadcast_in_dim3A_94 = vector.shape_cast %get3A_86 : vector<16x1xf32> to vector<16x1xf32>
    %broadcast_in_dim3A_95 = vector.broadcast %broadcast_in_dim3A_94 : vector<16x1xf32> to vector<16x2048xf32>
    %select_n3A_96 = arith.select %lt3A_92, %broadcast_in_dim3A_95, %select_n3A_80 : vector<16x2048xi1>, vector<16x2048xf32>
    %get3A_97 = arith.constant 96 : index
    %get3A_98 = arith.constant 0 : index
    %get3A_99 = vector.load %arg6[%get3A_97, %get3A_98] : memref<1024x1xf32, #tpu.memory_space<vmem>>, vector<16x1xf32>
    %get3A_100 = arith.constant 96 : index
    %get3A_101 = arith.constant 0 : index
    %get3A_102 = vector.load %arg7[%get3A_100, %get3A_101] : memref<1024x1xf32, #tpu.memory_space<vmem>>, vector<16x1xf32>
    %add3A_103 = vector.broadcast %transpose3A : vector<1x2048xf32> to vector<16x2048xf32>
    %add3A_104 = vector.broadcast %get3A_99 : vector<16x1xf32> to vector<16x2048xf32>
    %add3A_105 = arith.addf %add3A_103, %add3A_104 : vector<16x2048xf32>
    %slice3A_106 = vector.extract_strided_slice %dot_general3A_8 {offsets = [96, 0], sizes = [16, 2048], strides = [1, 1]} : vector<1024x2048xf32> to vector<16x2048xf32>
    %add3A_107 = arith.addf %add3A_105, %slice3A_106 : vector<16x2048xf32>
    %lt3A_108 = arith.cmpf olt, %add3A_107, %min3A_93 : vector<16x2048xf32>
    %min3A_109 = arith.minimumf %add3A_107, %min3A_93 : vector<16x2048xf32>
    %broadcast_in_dim3A_110 = vector.shape_cast %get3A_102 : vector<16x1xf32> to vector<16x1xf32>
    %broadcast_in_dim3A_111 = vector.broadcast %broadcast_in_dim3A_110 : vector<16x1xf32> to vector<16x2048xf32>
    %select_n3A_112 = arith.select %lt3A_108, %broadcast_in_dim3A_111, %select_n3A_96 : vector<16x2048xi1>, vector<16x2048xf32>
    %get3A_113 = arith.constant 112 : index
    %get3A_114 = arith.constant 0 : index
    %get3A_115 = vector.load %arg6[%get3A_113, %get3A_114] : memref<1024x1xf32, #tpu.memory_space<vmem>>, vector<16x1xf32>
    %get3A_116 = arith.constant 112 : index
    %get3A_117 = arith.constant 0 : index
    %get3A_118 = vector.load %arg7[%get3A_116, %get3A_117] : memref<1024x1xf32, #tpu.memory_space<vmem>>, vector<16x1xf32>
    %add3A_119 = vector.broadcast %transpose3A : vector<1x2048xf32> to vector<16x2048xf32>
    %add3A_120 = vector.broadcast %get3A_115 : vector<16x1xf32> to vector<16x2048xf32>
    %add3A_121 = arith.addf %add3A_119, %add3A_120 : vector<16x2048xf32>
    %slice3A_122 = vector.extract_strided_slice %dot_general3A_8 {offsets = [112, 0], sizes = [16, 2048], strides = [1, 1]} : vector<1024x2048xf32> to vector<16x2048xf32>
    %add3A_123 = arith.addf %add3A_121, %slice3A_122 : vector<16x2048xf32>
    %lt3A_124 = arith.cmpf olt, %add3A_123, %min3A_109 : vector<16x2048xf32>
    %min3A_125 = arith.minimumf %add3A_123, %min3A_109 : vector<16x2048xf32>
    %broadcast_in_dim3A_126 = vector.shape_cast %get3A_118 : vector<16x1xf32> to vector<16x1xf32>
    %broadcast_in_dim3A_127 = vector.broadcast %broadcast_in_dim3A_126 : vector<16x1xf32> to vector<16x2048xf32>
    %select_n3A_128 = arith.select %lt3A_124, %broadcast_in_dim3A_127, %select_n3A_112 : vector<16x2048xi1>, vector<16x2048xf32>
    %get3A_129 = arith.constant 128 : index
    %get3A_130 = arith.constant 0 : index
    %get3A_131 = vector.load %arg6[%get3A_129, %get3A_130] : memref<1024x1xf32, #tpu.memory_space<vmem>>, vector<16x1xf32>
    %get3A_132 = arith.constant 128 : index
    %get3A_133 = arith.constant 0 : index
    %get3A_134 = vector.load %arg7[%get3A_132, %get3A_133] : memref<1024x1xf32, #tpu.memory_space<vmem>>, vector<16x1xf32>
    %add3A_135 = vector.broadcast %transpose3A : vector<1x2048xf32> to vector<16x2048xf32>
    %add3A_136 = vector.broadcast %get3A_131 : vector<16x1xf32> to vector<16x2048xf32>
    %add3A_137 = arith.addf %add3A_135, %add3A_136 : vector<16x2048xf32>
    %slice3A_138 = vector.extract_strided_slice %dot_general3A_8 {offsets = [128, 0], sizes = [16, 2048], strides = [1, 1]} : vector<1024x2048xf32> to vector<16x2048xf32>
    %add3A_139 = arith.addf %add3A_137, %slice3A_138 : vector<16x2048xf32>
    %lt3A_140 = arith.cmpf olt, %add3A_139, %min3A_125 : vector<16x2048xf32>
    %min3A_141 = arith.minimumf %add3A_139, %min3A_125 : vector<16x2048xf32>
    %broadcast_in_dim3A_142 = vector.shape_cast %get3A_134 : vector<16x1xf32> to vector<16x1xf32>
    %broadcast_in_dim3A_143 = vector.broadcast %broadcast_in_dim3A_142 : vector<16x1xf32> to vector<16x2048xf32>
    %select_n3A_144 = arith.select %lt3A_140, %broadcast_in_dim3A_143, %select_n3A_128 : vector<16x2048xi1>, vector<16x2048xf32>
    %get3A_145 = arith.constant 144 : index
    %get3A_146 = arith.constant 0 : index
    %get3A_147 = vector.load %arg6[%get3A_145, %get3A_146] : memref<1024x1xf32, #tpu.memory_space<vmem>>, vector<16x1xf32>
    %get3A_148 = arith.constant 144 : index
    %get3A_149 = arith.constant 0 : index
    %get3A_150 = vector.load %arg7[%get3A_148, %get3A_149] : memref<1024x1xf32, #tpu.memory_space<vmem>>, vector<16x1xf32>
    %add3A_151 = vector.broadcast %transpose3A : vector<1x2048xf32> to vector<16x2048xf32>
    %add3A_152 = vector.broadcast %get3A_147 : vector<16x1xf32> to vector<16x2048xf32>
    %add3A_153 = arith.addf %add3A_151, %add3A_152 : vector<16x2048xf32>
    %slice3A_154 = vector.extract_strided_slice %dot_general3A_8 {offsets = [144, 0], sizes = [16, 2048], strides = [1, 1]} : vector<1024x2048xf32> to vector<16x2048xf32>
    %add3A_155 = arith.addf %add3A_153, %slice3A_154 : vector<16x2048xf32>
    %lt3A_156 = arith.cmpf olt, %add3A_155, %min3A_141 : vector<16x2048xf32>
    %min3A_157 = arith.minimumf %add3A_155, %min3A_141 : vector<16x2048xf32>
    %broadcast_in_dim3A_158 = vector.shape_cast %get3A_150 : vector<16x1xf32> to vector<16x1xf32>
    %broadcast_in_dim3A_159 = vector.broadcast %broadcast_in_dim3A_158 : vector<16x1xf32> to vector<16x2048xf32>
    %select_n3A_160 = arith.select %lt3A_156, %broadcast_in_dim3A_159, %select_n3A_144 : vector<16x2048xi1>, vector<16x2048xf32>
    %get3A_161 = arith.constant 160 : index
    %get3A_162 = arith.constant 0 : index
    %get3A_163 = vector.load %arg6[%get3A_161, %get3A_162] : memref<1024x1xf32, #tpu.memory_space<vmem>>, vector<16x1xf32>
    %get3A_164 = arith.constant 160 : index
    %get3A_165 = arith.constant 0 : index
    %get3A_166 = vector.load %arg7[%get3A_164, %get3A_165] : memref<1024x1xf32, #tpu.memory_space<vmem>>, vector<16x1xf32>
    %add3A_167 = vector.broadcast %transpose3A : vector<1x2048xf32> to vector<16x2048xf32>
    %add3A_168 = vector.broadcast %get3A_163 : vector<16x1xf32> to vector<16x2048xf32>
    %add3A_169 = arith.addf %add3A_167, %add3A_168 : vector<16x2048xf32>
    %slice3A_170 = vector.extract_strided_slice %dot_general3A_8 {offsets = [160, 0], sizes = [16, 2048], strides = [1, 1]} : vector<1024x2048xf32> to vector<16x2048xf32>
    %add3A_171 = arith.addf %add3A_169, %slice3A_170 : vector<16x2048xf32>
    %lt3A_172 = arith.cmpf olt, %add3A_171, %min3A_157 : vector<16x2048xf32>
    %min3A_173 = arith.minimumf %add3A_171, %min3A_157 : vector<16x2048xf32>
    %broadcast_in_dim3A_174 = vector.shape_cast %get3A_166 : vector<16x1xf32> to vector<16x1xf32>
    %broadcast_in_dim3A_175 = vector.broadcast %broadcast_in_dim3A_174 : vector<16x1xf32> to vector<16x2048xf32>
    %select_n3A_176 = arith.select %lt3A_172, %broadcast_in_dim3A_175, %select_n3A_160 : vector<16x2048xi1>, vector<16x2048xf32>
    %get3A_177 = arith.constant 176 : index
    %get3A_178 = arith.constant 0 : index
    %get3A_179 = vector.load %arg6[%get3A_177, %get3A_178] : memref<1024x1xf32, #tpu.memory_space<vmem>>, vector<16x1xf32>
    %get3A_180 = arith.constant 176 : index
    %get3A_181 = arith.constant 0 : index
    %get3A_182 = vector.load %arg7[%get3A_180, %get3A_181] : memref<1024x1xf32, #tpu.memory_space<vmem>>, vector<16x1xf32>
    %add3A_183 = vector.broadcast %transpose3A : vector<1x2048xf32> to vector<16x2048xf32>
    %add3A_184 = vector.broadcast %get3A_179 : vector<16x1xf32> to vector<16x2048xf32>
    %add3A_185 = arith.addf %add3A_183, %add3A_184 : vector<16x2048xf32>
    %slice3A_186 = vector.extract_strided_slice %dot_general3A_8 {offsets = [176, 0], sizes = [16, 2048], strides = [1, 1]} : vector<1024x2048xf32> to vector<16x2048xf32>
    %add3A_187 = arith.addf %add3A_185, %slice3A_186 : vector<16x2048xf32>
    %lt3A_188 = arith.cmpf olt, %add3A_187, %min3A_173 : vector<16x2048xf32>
    %min3A_189 = arith.minimumf %add3A_187, %min3A_173 : vector<16x2048xf32>
    %broadcast_in_dim3A_190 = vector.shape_cast %get3A_182 : vector<16x1xf32> to vector<16x1xf32>
    %broadcast_in_dim3A_191 = vector.broadcast %broadcast_in_dim3A_190 : vector<16x1xf32> to vector<16x2048xf32>
    %select_n3A_192 = arith.select %lt3A_188, %broadcast_in_dim3A_191, %select_n3A_176 : vector<16x2048xi1>, vector<16x2048xf32>
    %get3A_193 = arith.constant 192 : index
    %get3A_194 = arith.constant 0 : index
    %get3A_195 = vector.load %arg6[%get3A_193, %get3A_194] : memref<1024x1xf32, #tpu.memory_space<vmem>>, vector<16x1xf32>
    %get3A_196 = arith.constant 192 : index
    %get3A_197 = arith.constant 0 : index
    %get3A_198 = vector.load %arg7[%get3A_196, %get3A_197] : memref<1024x1xf32, #tpu.memory_space<vmem>>, vector<16x1xf32>
    %add3A_199 = vector.broadcast %transpose3A : vector<1x2048xf32> to vector<16x2048xf32>
    %add3A_200 = vector.broadcast %get3A_195 : vector<16x1xf32> to vector<16x2048xf32>
    %add3A_201 = arith.addf %add3A_199, %add3A_200 : vector<16x2048xf32>
    %slice3A_202 = vector.extract_strided_slice %dot_general3A_8 {offsets = [192, 0], sizes = [16, 2048], strides = [1, 1]} : vector<1024x2048xf32> to vector<16x2048xf32>
    %add3A_203 = arith.addf %add3A_201, %slice3A_202 : vector<16x2048xf32>
    %lt3A_204 = arith.cmpf olt, %add3A_203, %min3A_189 : vector<16x2048xf32>
    %min3A_205 = arith.minimumf %add3A_203, %min3A_189 : vector<16x2048xf32>
    %broadcast_in_dim3A_206 = vector.shape_cast %get3A_198 : vector<16x1xf32> to vector<16x1xf32>
    %broadcast_in_dim3A_207 = vector.broadcast %broadcast_in_dim3A_206 : vector<16x1xf32> to vector<16x2048xf32>
    %select_n3A_208 = arith.select %lt3A_204, %broadcast_in_dim3A_207, %select_n3A_192 : vector<16x2048xi1>, vector<16x2048xf32>
    %get3A_209 = arith.constant 208 : index
    %get3A_210 = arith.constant 0 : index
    %get3A_211 = vector.load %arg6[%get3A_209, %get3A_210] : memref<1024x1xf32, #tpu.memory_space<vmem>>, vector<16x1xf32>
    %get3A_212 = arith.constant 208 : index
    %get3A_213 = arith.constant 0 : index
    %get3A_214 = vector.load %arg7[%get3A_212, %get3A_213] : memref<1024x1xf32, #tpu.memory_space<vmem>>, vector<16x1xf32>
    %add3A_215 = vector.broadcast %transpose3A : vector<1x2048xf32> to vector<16x2048xf32>
    %add3A_216 = vector.broadcast %get3A_211 : vector<16x1xf32> to vector<16x2048xf32>
    %add3A_217 = arith.addf %add3A_215, %add3A_216 : vector<16x2048xf32>
    %slice3A_218 = vector.extract_strided_slice %dot_general3A_8 {offsets = [208, 0], sizes = [16, 2048], strides = [1, 1]} : vector<1024x2048xf32> to vector<16x2048xf32>
    %add3A_219 = arith.addf %add3A_217, %slice3A_218 : vector<16x2048xf32>
    %lt3A_220 = arith.cmpf olt, %add3A_219, %min3A_205 : vector<16x2048xf32>
    %min3A_221 = arith.minimumf %add3A_219, %min3A_205 : vector<16x2048xf32>
    %broadcast_in_dim3A_222 = vector.shape_cast %get3A_214 : vector<16x1xf32> to vector<16x1xf32>
    %broadcast_in_dim3A_223 = vector.broadcast %broadcast_in_dim3A_222 : vector<16x1xf32> to vector<16x2048xf32>
    %select_n3A_224 = arith.select %lt3A_220, %broadcast_in_dim3A_223, %select_n3A_208 : vector<16x2048xi1>, vector<16x2048xf32>
    %get3A_225 = arith.constant 224 : index
    %get3A_226 = arith.constant 0 : index
    %get3A_227 = vector.load %arg6[%get3A_225, %get3A_226] : memref<1024x1xf32, #tpu.memory_space<vmem>>, vector<16x1xf32>
    %get3A_228 = arith.constant 224 : index
    %get3A_229 = arith.constant 0 : index
    %get3A_230 = vector.load %arg7[%get3A_228, %get3A_229] : memref<1024x1xf32, #tpu.memory_space<vmem>>, vector<16x1xf32>
    %add3A_231 = vector.broadcast %transpose3A : vector<1x2048xf32> to vector<16x2048xf32>
    %add3A_232 = vector.broadcast %get3A_227 : vector<16x1xf32> to vector<16x2048xf32>
    %add3A_233 = arith.addf %add3A_231, %add3A_232 : vector<16x2048xf32>
    %slice3A_234 = vector.extract_strided_slice %dot_general3A_8 {offsets = [224, 0], sizes = [16, 2048], strides = [1, 1]} : vector<1024x2048xf32> to vector<16x2048xf32>
    %add3A_235 = arith.addf %add3A_233, %slice3A_234 : vector<16x2048xf32>
    %lt3A_236 = arith.cmpf olt, %add3A_235, %min3A_221 : vector<16x2048xf32>
    %min3A_237 = arith.minimumf %add3A_235, %min3A_221 : vector<16x2048xf32>
    %broadcast_in_dim3A_238 = vector.shape_cast %get3A_230 : vector<16x1xf32> to vector<16x1xf32>
    %broadcast_in_dim3A_239 = vector.broadcast %broadcast_in_dim3A_238 : vector<16x1xf32> to vector<16x2048xf32>
    %select_n3A_240 = arith.select %lt3A_236, %broadcast_in_dim3A_239, %select_n3A_224 : vector<16x2048xi1>, vector<16x2048xf32>
    %get3A_241 = arith.constant 240 : index
    %get3A_242 = arith.constant 0 : index
    %get3A_243 = vector.load %arg6[%get3A_241, %get3A_242] : memref<1024x1xf32, #tpu.memory_space<vmem>>, vector<16x1xf32>
    %get3A_244 = arith.constant 240 : index
    %get3A_245 = arith.constant 0 : index
    %get3A_246 = vector.load %arg7[%get3A_244, %get3A_245] : memref<1024x1xf32, #tpu.memory_space<vmem>>, vector<16x1xf32>
    %add3A_247 = vector.broadcast %transpose3A : vector<1x2048xf32> to vector<16x2048xf32>
    %add3A_248 = vector.broadcast %get3A_243 : vector<16x1xf32> to vector<16x2048xf32>
    %add3A_249 = arith.addf %add3A_247, %add3A_248 : vector<16x2048xf32>
    %slice3A_250 = vector.extract_strided_slice %dot_general3A_8 {offsets = [240, 0], sizes = [16, 2048], strides = [1, 1]} : vector<1024x2048xf32> to vector<16x2048xf32>
    %add3A_251 = arith.addf %add3A_249, %slice3A_250 : vector<16x2048xf32>
    %lt3A_252 = arith.cmpf olt, %add3A_251, %min3A_237 : vector<16x2048xf32>
    %min3A_253 = arith.minimumf %add3A_251, %min3A_237 : vector<16x2048xf32>
    %broadcast_in_dim3A_254 = vector.shape_cast %get3A_246 : vector<16x1xf32> to vector<16x1xf32>
    %broadcast_in_dim3A_255 = vector.broadcast %broadcast_in_dim3A_254 : vector<16x1xf32> to vector<16x2048xf32>
    %select_n3A_256 = arith.select %lt3A_252, %broadcast_in_dim3A_255, %select_n3A_240 : vector<16x2048xi1>, vector<16x2048xf32>
    %get3A_257 = arith.constant 256 : index
    %get3A_258 = arith.constant 0 : index
    %get3A_259 = vector.load %arg6[%get3A_257, %get3A_258] : memref<1024x1xf32, #tpu.memory_space<vmem>>, vector<16x1xf32>
    %get3A_260 = arith.constant 256 : index
    %get3A_261 = arith.constant 0 : index
    %get3A_262 = vector.load %arg7[%get3A_260, %get3A_261] : memref<1024x1xf32, #tpu.memory_space<vmem>>, vector<16x1xf32>
    %add3A_263 = vector.broadcast %transpose3A : vector<1x2048xf32> to vector<16x2048xf32>
    %add3A_264 = vector.broadcast %get3A_259 : vector<16x1xf32> to vector<16x2048xf32>
    %add3A_265 = arith.addf %add3A_263, %add3A_264 : vector<16x2048xf32>
    %slice3A_266 = vector.extract_strided_slice %dot_general3A_8 {offsets = [256, 0], sizes = [16, 2048], strides = [1, 1]} : vector<1024x2048xf32> to vector<16x2048xf32>
    %add3A_267 = arith.addf %add3A_265, %slice3A_266 : vector<16x2048xf32>
    %lt3A_268 = arith.cmpf olt, %add3A_267, %min3A_253 : vector<16x2048xf32>
    %min3A_269 = arith.minimumf %add3A_267, %min3A_253 : vector<16x2048xf32>
    %broadcast_in_dim3A_270 = vector.shape_cast %get3A_262 : vector<16x1xf32> to vector<16x1xf32>
    %broadcast_in_dim3A_271 = vector.broadcast %broadcast_in_dim3A_270 : vector<16x1xf32> to vector<16x2048xf32>
    %select_n3A_272 = arith.select %lt3A_268, %broadcast_in_dim3A_271, %select_n3A_256 : vector<16x2048xi1>, vector<16x2048xf32>
    %get3A_273 = arith.constant 272 : index
    %get3A_274 = arith.constant 0 : index
    %get3A_275 = vector.load %arg6[%get3A_273, %get3A_274] : memref<1024x1xf32, #tpu.memory_space<vmem>>, vector<16x1xf32>
    %get3A_276 = arith.constant 272 : index
    %get3A_277 = arith.constant 0 : index
    %get3A_278 = vector.load %arg7[%get3A_276, %get3A_277] : memref<1024x1xf32, #tpu.memory_space<vmem>>, vector<16x1xf32>
    %add3A_279 = vector.broadcast %transpose3A : vector<1x2048xf32> to vector<16x2048xf32>
    %add3A_280 = vector.broadcast %get3A_275 : vector<16x1xf32> to vector<16x2048xf32>
    %add3A_281 = arith.addf %add3A_279, %add3A_280 : vector<16x2048xf32>
    %slice3A_282 = vector.extract_strided_slice %dot_general3A_8 {offsets = [272, 0], sizes = [16, 2048], strides = [1, 1]} : vector<1024x2048xf32> to vector<16x2048xf32>
    %add3A_283 = arith.addf %add3A_281, %slice3A_282 : vector<16x2048xf32>
    %lt3A_284 = arith.cmpf olt, %add3A_283, %min3A_269 : vector<16x2048xf32>
    %min3A_285 = arith.minimumf %add3A_283, %min3A_269 : vector<16x2048xf32>
    %broadcast_in_dim3A_286 = vector.shape_cast %get3A_278 : vector<16x1xf32> to vector<16x1xf32>
    %broadcast_in_dim3A_287 = vector.broadcast %broadcast_in_dim3A_286 : vector<16x1xf32> to vector<16x2048xf32>
    %select_n3A_288 = arith.select %lt3A_284, %broadcast_in_dim3A_287, %select_n3A_272 : vector<16x2048xi1>, vector<16x2048xf32>
    %get3A_289 = arith.constant 288 : index
    %get3A_290 = arith.constant 0 : index
    %get3A_291 = vector.load %arg6[%get3A_289, %get3A_290] : memref<1024x1xf32, #tpu.memory_space<vmem>>, vector<16x1xf32>
    %get3A_292 = arith.constant 288 : index
    %get3A_293 = arith.constant 0 : index
    %get3A_294 = vector.load %arg7[%get3A_292, %get3A_293] : memref<1024x1xf32, #tpu.memory_space<vmem>>, vector<16x1xf32>
    %add3A_295 = vector.broadcast %transpose3A : vector<1x2048xf32> to vector<16x2048xf32>
    %add3A_296 = vector.broadcast %get3A_291 : vector<16x1xf32> to vector<16x2048xf32>
    %add3A_297 = arith.addf %add3A_295, %add3A_296 : vector<16x2048xf32>
    %slice3A_298 = vector.extract_strided_slice %dot_general3A_8 {offsets = [288, 0], sizes = [16, 2048], strides = [1, 1]} : vector<1024x2048xf32> to vector<16x2048xf32>
    %add3A_299 = arith.addf %add3A_297, %slice3A_298 : vector<16x2048xf32>
    %lt3A_300 = arith.cmpf olt, %add3A_299, %min3A_285 : vector<16x2048xf32>
    %min3A_301 = arith.minimumf %add3A_299, %min3A_285 : vector<16x2048xf32>
    %broadcast_in_dim3A_302 = vector.shape_cast %get3A_294 : vector<16x1xf32> to vector<16x1xf32>
    %broadcast_in_dim3A_303 = vector.broadcast %broadcast_in_dim3A_302 : vector<16x1xf32> to vector<16x2048xf32>
    %select_n3A_304 = arith.select %lt3A_300, %broadcast_in_dim3A_303, %select_n3A_288 : vector<16x2048xi1>, vector<16x2048xf32>
    %get3A_305 = arith.constant 304 : index
    %get3A_306 = arith.constant 0 : index
    %get3A_307 = vector.load %arg6[%get3A_305, %get3A_306] : memref<1024x1xf32, #tpu.memory_space<vmem>>, vector<16x1xf32>
    %get3A_308 = arith.constant 304 : index
    %get3A_309 = arith.constant 0 : index
    %get3A_310 = vector.load %arg7[%get3A_308, %get3A_309] : memref<1024x1xf32, #tpu.memory_space<vmem>>, vector<16x1xf32>
    %add3A_311 = vector.broadcast %transpose3A : vector<1x2048xf32> to vector<16x2048xf32>
    %add3A_312 = vector.broadcast %get3A_307 : vector<16x1xf32> to vector<16x2048xf32>
    %add3A_313 = arith.addf %add3A_311, %add3A_312 : vector<16x2048xf32>
    %slice3A_314 = vector.extract_strided_slice %dot_general3A_8 {offsets = [304, 0], sizes = [16, 2048], strides = [1, 1]} : vector<1024x2048xf32> to vector<16x2048xf32>
    %add3A_315 = arith.addf %add3A_313, %slice3A_314 : vector<16x2048xf32>
    %lt3A_316 = arith.cmpf olt, %add3A_315, %min3A_301 : vector<16x2048xf32>
    %min3A_317 = arith.minimumf %add3A_315, %min3A_301 : vector<16x2048xf32>
    %broadcast_in_dim3A_318 = vector.shape_cast %get3A_310 : vector<16x1xf32> to vector<16x1xf32>
    %broadcast_in_dim3A_319 = vector.broadcast %broadcast_in_dim3A_318 : vector<16x1xf32> to vector<16x2048xf32>
    %select_n3A_320 = arith.select %lt3A_316, %broadcast_in_dim3A_319, %select_n3A_304 : vector<16x2048xi1>, vector<16x2048xf32>
    %get3A_321 = arith.constant 320 : index
    %get3A_322 = arith.constant 0 : index
    %get3A_323 = vector.load %arg6[%get3A_321, %get3A_322] : memref<1024x1xf32, #tpu.memory_space<vmem>>, vector<16x1xf32>
    %get3A_324 = arith.constant 320 : index
    %get3A_325 = arith.constant 0 : index
    %get3A_326 = vector.load %arg7[%get3A_324, %get3A_325] : memref<1024x1xf32, #tpu.memory_space<vmem>>, vector<16x1xf32>
    %add3A_327 = vector.broadcast %transpose3A : vector<1x2048xf32> to vector<16x2048xf32>
    %add3A_328 = vector.broadcast %get3A_323 : vector<16x1xf32> to vector<16x2048xf32>
    %add3A_329 = arith.addf %add3A_327, %add3A_328 : vector<16x2048xf32>
    %slice3A_330 = vector.extract_strided_slice %dot_general3A_8 {offsets = [320, 0], sizes = [16, 2048], strides = [1, 1]} : vector<1024x2048xf32> to vector<16x2048xf32>
    %add3A_331 = arith.addf %add3A_329, %slice3A_330 : vector<16x2048xf32>
    %lt3A_332 = arith.cmpf olt, %add3A_331, %min3A_317 : vector<16x2048xf32>
    %min3A_333 = arith.minimumf %add3A_331, %min3A_317 : vector<16x2048xf32>
    %broadcast_in_dim3A_334 = vector.shape_cast %get3A_326 : vector<16x1xf32> to vector<16x1xf32>
    %broadcast_in_dim3A_335 = vector.broadcast %broadcast_in_dim3A_334 : vector<16x1xf32> to vector<16x2048xf32>
    %select_n3A_336 = arith.select %lt3A_332, %broadcast_in_dim3A_335, %select_n3A_320 : vector<16x2048xi1>, vector<16x2048xf32>
    %get3A_337 = arith.constant 336 : index
    %get3A_338 = arith.constant 0 : index
    %get3A_339 = vector.load %arg6[%get3A_337, %get3A_338] : memref<1024x1xf32, #tpu.memory_space<vmem>>, vector<16x1xf32>
    %get3A_340 = arith.constant 336 : index
    %get3A_341 = arith.constant 0 : index
    %get3A_342 = vector.load %arg7[%get3A_340, %get3A_341] : memref<1024x1xf32, #tpu.memory_space<vmem>>, vector<16x1xf32>
    %add3A_343 = vector.broadcast %transpose3A : vector<1x2048xf32> to vector<16x2048xf32>
    %add3A_344 = vector.broadcast %get3A_339 : vector<16x1xf32> to vector<16x2048xf32>
    %add3A_345 = arith.addf %add3A_343, %add3A_344 : vector<16x2048xf32>
    %slice3A_346 = vector.extract_strided_slice %dot_general3A_8 {offsets = [336, 0], sizes = [16, 2048], strides = [1, 1]} : vector<1024x2048xf32> to vector<16x2048xf32>
    %add3A_347 = arith.addf %add3A_345, %slice3A_346 : vector<16x2048xf32>
    %lt3A_348 = arith.cmpf olt, %add3A_347, %min3A_333 : vector<16x2048xf32>
    %min3A_349 = arith.minimumf %add3A_347, %min3A_333 : vector<16x2048xf32>
    %broadcast_in_dim3A_350 = vector.shape_cast %get3A_342 : vector<16x1xf32> to vector<16x1xf32>
    %broadcast_in_dim3A_351 = vector.broadcast %broadcast_in_dim3A_350 : vector<16x1xf32> to vector<16x2048xf32>
    %select_n3A_352 = arith.select %lt3A_348, %broadcast_in_dim3A_351, %select_n3A_336 : vector<16x2048xi1>, vector<16x2048xf32>
    %get3A_353 = arith.constant 352 : index
    %get3A_354 = arith.constant 0 : index
    %get3A_355 = vector.load %arg6[%get3A_353, %get3A_354] : memref<1024x1xf32, #tpu.memory_space<vmem>>, vector<16x1xf32>
    %get3A_356 = arith.constant 352 : index
    %get3A_357 = arith.constant 0 : index
    %get3A_358 = vector.load %arg7[%get3A_356, %get3A_357] : memref<1024x1xf32, #tpu.memory_space<vmem>>, vector<16x1xf32>
    %add3A_359 = vector.broadcast %transpose3A : vector<1x2048xf32> to vector<16x2048xf32>
    %add3A_360 = vector.broadcast %get3A_355 : vector<16x1xf32> to vector<16x2048xf32>
    %add3A_361 = arith.addf %add3A_359, %add3A_360 : vector<16x2048xf32>
    %slice3A_362 = vector.extract_strided_slice %dot_general3A_8 {offsets = [352, 0], sizes = [16, 2048], strides = [1, 1]} : vector<1024x2048xf32> to vector<16x2048xf32>
    %add3A_363 = arith.addf %add3A_361, %slice3A_362 : vector<16x2048xf32>
    %lt3A_364 = arith.cmpf olt, %add3A_363, %min3A_349 : vector<16x2048xf32>
    %min3A_365 = arith.minimumf %add3A_363, %min3A_349 : vector<16x2048xf32>
    %broadcast_in_dim3A_366 = vector.shape_cast %get3A_358 : vector<16x1xf32> to vector<16x1xf32>
    %broadcast_in_dim3A_367 = vector.broadcast %broadcast_in_dim3A_366 : vector<16x1xf32> to vector<16x2048xf32>
    %select_n3A_368 = arith.select %lt3A_364, %broadcast_in_dim3A_367, %select_n3A_352 : vector<16x2048xi1>, vector<16x2048xf32>
    %get3A_369 = arith.constant 368 : index
    %get3A_370 = arith.constant 0 : index
    %get3A_371 = vector.load %arg6[%get3A_369, %get3A_370] : memref<1024x1xf32, #tpu.memory_space<vmem>>, vector<16x1xf32>
    %get3A_372 = arith.constant 368 : index
    %get3A_373 = arith.constant 0 : index
    %get3A_374 = vector.load %arg7[%get3A_372, %get3A_373] : memref<1024x1xf32, #tpu.memory_space<vmem>>, vector<16x1xf32>
    %add3A_375 = vector.broadcast %transpose3A : vector<1x2048xf32> to vector<16x2048xf32>
    %add3A_376 = vector.broadcast %get3A_371 : vector<16x1xf32> to vector<16x2048xf32>
    %add3A_377 = arith.addf %add3A_375, %add3A_376 : vector<16x2048xf32>
    %slice3A_378 = vector.extract_strided_slice %dot_general3A_8 {offsets = [368, 0], sizes = [16, 2048], strides = [1, 1]} : vector<1024x2048xf32> to vector<16x2048xf32>
    %add3A_379 = arith.addf %add3A_377, %slice3A_378 : vector<16x2048xf32>
    %lt3A_380 = arith.cmpf olt, %add3A_379, %min3A_365 : vector<16x2048xf32>
    %min3A_381 = arith.minimumf %add3A_379, %min3A_365 : vector<16x2048xf32>
    %broadcast_in_dim3A_382 = vector.shape_cast %get3A_374 : vector<16x1xf32> to vector<16x1xf32>
    %broadcast_in_dim3A_383 = vector.broadcast %broadcast_in_dim3A_382 : vector<16x1xf32> to vector<16x2048xf32>
    %select_n3A_384 = arith.select %lt3A_380, %broadcast_in_dim3A_383, %select_n3A_368 : vector<16x2048xi1>, vector<16x2048xf32>
    %get3A_385 = arith.constant 384 : index
    %get3A_386 = arith.constant 0 : index
    %get3A_387 = vector.load %arg6[%get3A_385, %get3A_386] : memref<1024x1xf32, #tpu.memory_space<vmem>>, vector<16x1xf32>
    %get3A_388 = arith.constant 384 : index
    %get3A_389 = arith.constant 0 : index
    %get3A_390 = vector.load %arg7[%get3A_388, %get3A_389] : memref<1024x1xf32, #tpu.memory_space<vmem>>, vector<16x1xf32>
    %add3A_391 = vector.broadcast %transpose3A : vector<1x2048xf32> to vector<16x2048xf32>
    %add3A_392 = vector.broadcast %get3A_387 : vector<16x1xf32> to vector<16x2048xf32>
    %add3A_393 = arith.addf %add3A_391, %add3A_392 : vector<16x2048xf32>
    %slice3A_394 = vector.extract_strided_slice %dot_general3A_8 {offsets = [384, 0], sizes = [16, 2048], strides = [1, 1]} : vector<1024x2048xf32> to vector<16x2048xf32>
    %add3A_395 = arith.addf %add3A_393, %slice3A_394 : vector<16x2048xf32>
    %lt3A_396 = arith.cmpf olt, %add3A_395, %min3A_381 : vector<16x2048xf32>
    %min3A_397 = arith.minimumf %add3A_395, %min3A_381 : vector<16x2048xf32>
    %broadcast_in_dim3A_398 = vector.shape_cast %get3A_390 : vector<16x1xf32> to vector<16x1xf32>
    %broadcast_in_dim3A_399 = vector.broadcast %broadcast_in_dim3A_398 : vector<16x1xf32> to vector<16x2048xf32>
    %select_n3A_400 = arith.select %lt3A_396, %broadcast_in_dim3A_399, %select_n3A_384 : vector<16x2048xi1>, vector<16x2048xf32>
    %get3A_401 = arith.constant 400 : index
    %get3A_402 = arith.constant 0 : index
    %get3A_403 = vector.load %arg6[%get3A_401, %get3A_402] : memref<1024x1xf32, #tpu.memory_space<vmem>>, vector<16x1xf32>
    %get3A_404 = arith.constant 400 : index
    %get3A_405 = arith.constant 0 : index
    %get3A_406 = vector.load %arg7[%get3A_404, %get3A_405] : memref<1024x1xf32, #tpu.memory_space<vmem>>, vector<16x1xf32>
    %add3A_407 = vector.broadcast %transpose3A : vector<1x2048xf32> to vector<16x2048xf32>
    %add3A_408 = vector.broadcast %get3A_403 : vector<16x1xf32> to vector<16x2048xf32>
    %add3A_409 = arith.addf %add3A_407, %add3A_408 : vector<16x2048xf32>
    %slice3A_410 = vector.extract_strided_slice %dot_general3A_8 {offsets = [400, 0], sizes = [16, 2048], strides = [1, 1]} : vector<1024x2048xf32> to vector<16x2048xf32>
    %add3A_411 = arith.addf %add3A_409, %slice3A_410 : vector<16x2048xf32>
    %lt3A_412 = arith.cmpf olt, %add3A_411, %min3A_397 : vector<16x2048xf32>
    %min3A_413 = arith.minimumf %add3A_411, %min3A_397 : vector<16x2048xf32>
    %broadcast_in_dim3A_414 = vector.shape_cast %get3A_406 : vector<16x1xf32> to vector<16x1xf32>
    %broadcast_in_dim3A_415 = vector.broadcast %broadcast_in_dim3A_414 : vector<16x1xf32> to vector<16x2048xf32>
    %select_n3A_416 = arith.select %lt3A_412, %broadcast_in_dim3A_415, %select_n3A_400 : vector<16x2048xi1>, vector<16x2048xf32>
    %get3A_417 = arith.constant 416 : index
    %get3A_418 = arith.constant 0 : index
    %get3A_419 = vector.load %arg6[%get3A_417, %get3A_418] : memref<1024x1xf32, #tpu.memory_space<vmem>>, vector<16x1xf32>
    %get3A_420 = arith.constant 416 : index
    %get3A_421 = arith.constant 0 : index
    %get3A_422 = vector.load %arg7[%get3A_420, %get3A_421] : memref<1024x1xf32, #tpu.memory_space<vmem>>, vector<16x1xf32>
    %add3A_423 = vector.broadcast %transpose3A : vector<1x2048xf32> to vector<16x2048xf32>
    %add3A_424 = vector.broadcast %get3A_419 : vector<16x1xf32> to vector<16x2048xf32>
    %add3A_425 = arith.addf %add3A_423, %add3A_424 : vector<16x2048xf32>
    %slice3A_426 = vector.extract_strided_slice %dot_general3A_8 {offsets = [416, 0], sizes = [16, 2048], strides = [1, 1]} : vector<1024x2048xf32> to vector<16x2048xf32>
    %add3A_427 = arith.addf %add3A_425, %slice3A_426 : vector<16x2048xf32>
    %lt3A_428 = arith.cmpf olt, %add3A_427, %min3A_413 : vector<16x2048xf32>
    %min3A_429 = arith.minimumf %add3A_427, %min3A_413 : vector<16x2048xf32>
    %broadcast_in_dim3A_430 = vector.shape_cast %get3A_422 : vector<16x1xf32> to vector<16x1xf32>
    %broadcast_in_dim3A_431 = vector.broadcast %broadcast_in_dim3A_430 : vector<16x1xf32> to vector<16x2048xf32>
    %select_n3A_432 = arith.select %lt3A_428, %broadcast_in_dim3A_431, %select_n3A_416 : vector<16x2048xi1>, vector<16x2048xf32>
    %get3A_433 = arith.constant 432 : index
    %get3A_434 = arith.constant 0 : index
    %get3A_435 = vector.load %arg6[%get3A_433, %get3A_434] : memref<1024x1xf32, #tpu.memory_space<vmem>>, vector<16x1xf32>
    %get3A_436 = arith.constant 432 : index
    %get3A_437 = arith.constant 0 : index
    %get3A_438 = vector.load %arg7[%get3A_436, %get3A_437] : memref<1024x1xf32, #tpu.memory_space<vmem>>, vector<16x1xf32>
    %add3A_439 = vector.broadcast %transpose3A : vector<1x2048xf32> to vector<16x2048xf32>
    %add3A_440 = vector.broadcast %get3A_435 : vector<16x1xf32> to vector<16x2048xf32>
    %add3A_441 = arith.addf %add3A_439, %add3A_440 : vector<16x2048xf32>
    %slice3A_442 = vector.extract_strided_slice %dot_general3A_8 {offsets = [432, 0], sizes = [16, 2048], strides = [1, 1]} : vector<1024x2048xf32> to vector<16x2048xf32>
    %add3A_443 = arith.addf %add3A_441, %slice3A_442 : vector<16x2048xf32>
    %lt3A_444 = arith.cmpf olt, %add3A_443, %min3A_429 : vector<16x2048xf32>
    %min3A_445 = arith.minimumf %add3A_443, %min3A_429 : vector<16x2048xf32>
    %broadcast_in_dim3A_446 = vector.shape_cast %get3A_438 : vector<16x1xf32> to vector<16x1xf32>
    %broadcast_in_dim3A_447 = vector.broadcast %broadcast_in_dim3A_446 : vector<16x1xf32> to vector<16x2048xf32>
    %select_n3A_448 = arith.select %lt3A_444, %broadcast_in_dim3A_447, %select_n3A_432 : vector<16x2048xi1>, vector<16x2048xf32>
    %get3A_449 = arith.constant 448 : index
    %get3A_450 = arith.constant 0 : index
    %get3A_451 = vector.load %arg6[%get3A_449, %get3A_450] : memref<1024x1xf32, #tpu.memory_space<vmem>>, vector<16x1xf32>
    %get3A_452 = arith.constant 448 : index
    %get3A_453 = arith.constant 0 : index
    %get3A_454 = vector.load %arg7[%get3A_452, %get3A_453] : memref<1024x1xf32, #tpu.memory_space<vmem>>, vector<16x1xf32>
    %add3A_455 = vector.broadcast %transpose3A : vector<1x2048xf32> to vector<16x2048xf32>
    %add3A_456 = vector.broadcast %get3A_451 : vector<16x1xf32> to vector<16x2048xf32>
    %add3A_457 = arith.addf %add3A_455, %add3A_456 : vector<16x2048xf32>
    %slice3A_458 = vector.extract_strided_slice %dot_general3A_8 {offsets = [448, 0], sizes = [16, 2048], strides = [1, 1]} : vector<1024x2048xf32> to vector<16x2048xf32>
    %add3A_459 = arith.addf %add3A_457, %slice3A_458 : vector<16x2048xf32>
    %lt3A_460 = arith.cmpf olt, %add3A_459, %min3A_445 : vector<16x2048xf32>
    %min3A_461 = arith.minimumf %add3A_459, %min3A_445 : vector<16x2048xf32>
    %broadcast_in_dim3A_462 = vector.shape_cast %get3A_454 : vector<16x1xf32> to vector<16x1xf32>
    %broadcast_in_dim3A_463 = vector.broadcast %broadcast_in_dim3A_462 : vector<16x1xf32> to vector<16x2048xf32>
    %select_n3A_464 = arith.select %lt3A_460, %broadcast_in_dim3A_463, %select_n3A_448 : vector<16x2048xi1>, vector<16x2048xf32>
    %get3A_465 = arith.constant 464 : index
    %get3A_466 = arith.constant 0 : index
    %get3A_467 = vector.load %arg6[%get3A_465, %get3A_466] : memref<1024x1xf32, #tpu.memory_space<vmem>>, vector<16x1xf32>
    %get3A_468 = arith.constant 464 : index
    %get3A_469 = arith.constant 0 : index
    %get3A_470 = vector.load %arg7[%get3A_468, %get3A_469] : memref<1024x1xf32, #tpu.memory_space<vmem>>, vector<16x1xf32>
    %add3A_471 = vector.broadcast %transpose3A : vector<1x2048xf32> to vector<16x2048xf32>
    %add3A_472 = vector.broadcast %get3A_467 : vector<16x1xf32> to vector<16x2048xf32>
    %add3A_473 = arith.addf %add3A_471, %add3A_472 : vector<16x2048xf32>
    %slice3A_474 = vector.extract_strided_slice %dot_general3A_8 {offsets = [464, 0], sizes = [16, 2048], strides = [1, 1]} : vector<1024x2048xf32> to vector<16x2048xf32>
    %add3A_475 = arith.addf %add3A_473, %slice3A_474 : vector<16x2048xf32>
    %lt3A_476 = arith.cmpf olt, %add3A_475, %min3A_461 : vector<16x2048xf32>
    %min3A_477 = arith.minimumf %add3A_475, %min3A_461 : vector<16x2048xf32>
    %broadcast_in_dim3A_478 = vector.shape_cast %get3A_470 : vector<16x1xf32> to vector<16x1xf32>
    %broadcast_in_dim3A_479 = vector.broadcast %broadcast_in_dim3A_478 : vector<16x1xf32> to vector<16x2048xf32>
    %select_n3A_480 = arith.select %lt3A_476, %broadcast_in_dim3A_479, %select_n3A_464 : vector<16x2048xi1>, vector<16x2048xf32>
    %get3A_481 = arith.constant 480 : index
    %get3A_482 = arith.constant 0 : index
    %get3A_483 = vector.load %arg6[%get3A_481, %get3A_482] : memref<1024x1xf32, #tpu.memory_space<vmem>>, vector<16x1xf32>
    %get3A_484 = arith.constant 480 : index
    %get3A_485 = arith.constant 0 : index
    %get3A_486 = vector.load %arg7[%get3A_484, %get3A_485] : memref<1024x1xf32, #tpu.memory_space<vmem>>, vector<16x1xf32>
    %add3A_487 = vector.broadcast %transpose3A : vector<1x2048xf32> to vector<16x2048xf32>
    %add3A_488 = vector.broadcast %get3A_483 : vector<16x1xf32> to vector<16x2048xf32>
    %add3A_489 = arith.addf %add3A_487, %add3A_488 : vector<16x2048xf32>
    %slice3A_490 = vector.extract_strided_slice %dot_general3A_8 {offsets = [480, 0], sizes = [16, 2048], strides = [1, 1]} : vector<1024x2048xf32> to vector<16x2048xf32>
    %add3A_491 = arith.addf %add3A_489, %slice3A_490 : vector<16x2048xf32>
    %lt3A_492 = arith.cmpf olt, %add3A_491, %min3A_477 : vector<16x2048xf32>
    %min3A_493 = arith.minimumf %add3A_491, %min3A_477 : vector<16x2048xf32>
    %broadcast_in_dim3A_494 = vector.shape_cast %get3A_486 : vector<16x1xf32> to vector<16x1xf32>
    %broadcast_in_dim3A_495 = vector.broadcast %broadcast_in_dim3A_494 : vector<16x1xf32> to vector<16x2048xf32>
    %select_n3A_496 = arith.select %lt3A_492, %broadcast_in_dim3A_495, %select_n3A_480 : vector<16x2048xi1>, vector<16x2048xf32>
    %get3A_497 = arith.constant 496 : index
    %get3A_498 = arith.constant 0 : index
    %get3A_499 = vector.load %arg6[%get3A_497, %get3A_498] : memref<1024x1xf32, #tpu.memory_space<vmem>>, vector<16x1xf32>
    %get3A_500 = arith.constant 496 : index
    %get3A_501 = arith.constant 0 : index
    %get3A_502 = vector.load %arg7[%get3A_500, %get3A_501] : memref<1024x1xf32, #tpu.memory_space<vmem>>, vector<16x1xf32>
    %add3A_503 = vector.broadcast %transpose3A : vector<1x2048xf32> to vector<16x2048xf32>
    %add3A_504 = vector.broadcast %get3A_499 : vector<16x1xf32> to vector<16x2048xf32>
    %add3A_505 = arith.addf %add3A_503, %add3A_504 : vector<16x2048xf32>
    %slice3A_506 = vector.extract_strided_slice %dot_general3A_8 {offsets = [496, 0], sizes = [16, 2048], strides = [1, 1]} : vector<1024x2048xf32> to vector<16x2048xf32>
    %add3A_507 = arith.addf %add3A_505, %slice3A_506 : vector<16x2048xf32>
    %lt3A_508 = arith.cmpf olt, %add3A_507, %min3A_493 : vector<16x2048xf32>
    %min3A_509 = arith.minimumf %add3A_507, %min3A_493 : vector<16x2048xf32>
    %broadcast_in_dim3A_510 = vector.shape_cast %get3A_502 : vector<16x1xf32> to vector<16x1xf32>
    %broadcast_in_dim3A_511 = vector.broadcast %broadcast_in_dim3A_510 : vector<16x1xf32> to vector<16x2048xf32>
    %select_n3A_512 = arith.select %lt3A_508, %broadcast_in_dim3A_511, %select_n3A_496 : vector<16x2048xi1>, vector<16x2048xf32>
    %get3A_513 = arith.constant 512 : index
    %get3A_514 = arith.constant 0 : index
    %get3A_515 = vector.load %arg6[%get3A_513, %get3A_514] : memref<1024x1xf32, #tpu.memory_space<vmem>>, vector<16x1xf32>
    %get3A_516 = arith.constant 512 : index
    %get3A_517 = arith.constant 0 : index
    %get3A_518 = vector.load %arg7[%get3A_516, %get3A_517] : memref<1024x1xf32, #tpu.memory_space<vmem>>, vector<16x1xf32>
    %add3A_519 = vector.broadcast %transpose3A : vector<1x2048xf32> to vector<16x2048xf32>
    %add3A_520 = vector.broadcast %get3A_515 : vector<16x1xf32> to vector<16x2048xf32>
    %add3A_521 = arith.addf %add3A_519, %add3A_520 : vector<16x2048xf32>
    %slice3A_522 = vector.extract_strided_slice %dot_general3A_8 {offsets = [512, 0], sizes = [16, 2048], strides = [1, 1]} : vector<1024x2048xf32> to vector<16x2048xf32>
    %add3A_523 = arith.addf %add3A_521, %slice3A_522 : vector<16x2048xf32>
    %lt3A_524 = arith.cmpf olt, %add3A_523, %min3A_509 : vector<16x2048xf32>
    %min3A_525 = arith.minimumf %add3A_523, %min3A_509 : vector<16x2048xf32>
    %broadcast_in_dim3A_526 = vector.shape_cast %get3A_518 : vector<16x1xf32> to vector<16x1xf32>
    %broadcast_in_dim3A_527 = vector.broadcast %broadcast_in_dim3A_526 : vector<16x1xf32> to vector<16x2048xf32>
    %select_n3A_528 = arith.select %lt3A_524, %broadcast_in_dim3A_527, %select_n3A_512 : vector<16x2048xi1>, vector<16x2048xf32>
    %get3A_529 = arith.constant 528 : index
    %get3A_530 = arith.constant 0 : index
    %get3A_531 = vector.load %arg6[%get3A_529, %get3A_530] : memref<1024x1xf32, #tpu.memory_space<vmem>>, vector<16x1xf32>
    %get3A_532 = arith.constant 528 : index
    %get3A_533 = arith.constant 0 : index
    %get3A_534 = vector.load %arg7[%get3A_532, %get3A_533] : memref<1024x1xf32, #tpu.memory_space<vmem>>, vector<16x1xf32>
    %add3A_535 = vector.broadcast %transpose3A : vector<1x2048xf32> to vector<16x2048xf32>
    %add3A_536 = vector.broadcast %get3A_531 : vector<16x1xf32> to vector<16x2048xf32>
    %add3A_537 = arith.addf %add3A_535, %add3A_536 : vector<16x2048xf32>
    %slice3A_538 = vector.extract_strided_slice %dot_general3A_8 {offsets = [528, 0], sizes = [16, 2048], strides = [1, 1]} : vector<1024x2048xf32> to vector<16x2048xf32>
    %add3A_539 = arith.addf %add3A_537, %slice3A_538 : vector<16x2048xf32>
    %lt3A_540 = arith.cmpf olt, %add3A_539, %min3A_525 : vector<16x2048xf32>
    %min3A_541 = arith.minimumf %add3A_539, %min3A_525 : vector<16x2048xf32>
    %broadcast_in_dim3A_542 = vector.shape_cast %get3A_534 : vector<16x1xf32> to vector<16x1xf32>
    %broadcast_in_dim3A_543 = vector.broadcast %broadcast_in_dim3A_542 : vector<16x1xf32> to vector<16x2048xf32>
    %select_n3A_544 = arith.select %lt3A_540, %broadcast_in_dim3A_543, %select_n3A_528 : vector<16x2048xi1>, vector<16x2048xf32>
    %get3A_545 = arith.constant 544 : index
    %get3A_546 = arith.constant 0 : index
    %get3A_547 = vector.load %arg6[%get3A_545, %get3A_546] : memref<1024x1xf32, #tpu.memory_space<vmem>>, vector<16x1xf32>
    %get3A_548 = arith.constant 544 : index
    %get3A_549 = arith.constant 0 : index
    %get3A_550 = vector.load %arg7[%get3A_548, %get3A_549] : memref<1024x1xf32, #tpu.memory_space<vmem>>, vector<16x1xf32>
    %add3A_551 = vector.broadcast %transpose3A : vector<1x2048xf32> to vector<16x2048xf32>
    %add3A_552 = vector.broadcast %get3A_547 : vector<16x1xf32> to vector<16x2048xf32>
    %add3A_553 = arith.addf %add3A_551, %add3A_552 : vector<16x2048xf32>
    %slice3A_554 = vector.extract_strided_slice %dot_general3A_8 {offsets = [544, 0], sizes = [16, 2048], strides = [1, 1]} : vector<1024x2048xf32> to vector<16x2048xf32>
    %add3A_555 = arith.addf %add3A_553, %slice3A_554 : vector<16x2048xf32>
    %lt3A_556 = arith.cmpf olt, %add3A_555, %min3A_541 : vector<16x2048xf32>
    %min3A_557 = arith.minimumf %add3A_555, %min3A_541 : vector<16x2048xf32>
    %broadcast_in_dim3A_558 = vector.shape_cast %get3A_550 : vector<16x1xf32> to vector<16x1xf32>
    %broadcast_in_dim3A_559 = vector.broadcast %broadcast_in_dim3A_558 : vector<16x1xf32> to vector<16x2048xf32>
    %select_n3A_560 = arith.select %lt3A_556, %broadcast_in_dim3A_559, %select_n3A_544 : vector<16x2048xi1>, vector<16x2048xf32>
    %get3A_561 = arith.constant 560 : index
    %get3A_562 = arith.constant 0 : index
    %get3A_563 = vector.load %arg6[%get3A_561, %get3A_562] : memref<1024x1xf32, #tpu.memory_space<vmem>>, vector<16x1xf32>
    %get3A_564 = arith.constant 560 : index
    %get3A_565 = arith.constant 0 : index
    %get3A_566 = vector.load %arg7[%get3A_564, %get3A_565] : memref<1024x1xf32, #tpu.memory_space<vmem>>, vector<16x1xf32>
    %add3A_567 = vector.broadcast %transpose3A : vector<1x2048xf32> to vector<16x2048xf32>
    %add3A_568 = vector.broadcast %get3A_563 : vector<16x1xf32> to vector<16x2048xf32>
    %add3A_569 = arith.addf %add3A_567, %add3A_568 : vector<16x2048xf32>
    %slice3A_570 = vector.extract_strided_slice %dot_general3A_8 {offsets = [560, 0], sizes = [16, 2048], strides = [1, 1]} : vector<1024x2048xf32> to vector<16x2048xf32>
    %add3A_571 = arith.addf %add3A_569, %slice3A_570 : vector<16x2048xf32>
    %lt3A_572 = arith.cmpf olt, %add3A_571, %min3A_557 : vector<16x2048xf32>
    %min3A_573 = arith.minimumf %add3A_571, %min3A_557 : vector<16x2048xf32>
    %broadcast_in_dim3A_574 = vector.shape_cast %get3A_566 : vector<16x1xf32> to vector<16x1xf32>
    %broadcast_in_dim3A_575 = vector.broadcast %broadcast_in_dim3A_574 : vector<16x1xf32> to vector<16x2048xf32>
    %select_n3A_576 = arith.select %lt3A_572, %broadcast_in_dim3A_575, %select_n3A_560 : vector<16x2048xi1>, vector<16x2048xf32>
    %get3A_577 = arith.constant 576 : index
    %get3A_578 = arith.constant 0 : index
    %get3A_579 = vector.load %arg6[%get3A_577, %get3A_578] : memref<1024x1xf32, #tpu.memory_space<vmem>>, vector<16x1xf32>
    %get3A_580 = arith.constant 576 : index
    %get3A_581 = arith.constant 0 : index
    %get3A_582 = vector.load %arg7[%get3A_580, %get3A_581] : memref<1024x1xf32, #tpu.memory_space<vmem>>, vector<16x1xf32>
    %add3A_583 = vector.broadcast %transpose3A : vector<1x2048xf32> to vector<16x2048xf32>
    %add3A_584 = vector.broadcast %get3A_579 : vector<16x1xf32> to vector<16x2048xf32>
    %add3A_585 = arith.addf %add3A_583, %add3A_584 : vector<16x2048xf32>
    %slice3A_586 = vector.extract_strided_slice %dot_general3A_8 {offsets = [576, 0], sizes = [16, 2048], strides = [1, 1]} : vector<1024x2048xf32> to vector<16x2048xf32>
    %add3A_587 = arith.addf %add3A_585, %slice3A_586 : vector<16x2048xf32>
    %lt3A_588 = arith.cmpf olt, %add3A_587, %min3A_573 : vector<16x2048xf32>
    %min3A_589 = arith.minimumf %add3A_587, %min3A_573 : vector<16x2048xf32>
    %broadcast_in_dim3A_590 = vector.shape_cast %get3A_582 : vector<16x1xf32> to vector<16x1xf32>
    %broadcast_in_dim3A_591 = vector.broadcast %broadcast_in_dim3A_590 : vector<16x1xf32> to vector<16x2048xf32>
    %select_n3A_592 = arith.select %lt3A_588, %broadcast_in_dim3A_591, %select_n3A_576 : vector<16x2048xi1>, vector<16x2048xf32>
    %get3A_593 = arith.constant 592 : index
    %get3A_594 = arith.constant 0 : index
    %get3A_595 = vector.load %arg6[%get3A_593, %get3A_594] : memref<1024x1xf32, #tpu.memory_space<vmem>>, vector<16x1xf32>
    %get3A_596 = arith.constant 592 : index
    %get3A_597 = arith.constant 0 : index
    %get3A_598 = vector.load %arg7[%get3A_596, %get3A_597] : memref<1024x1xf32, #tpu.memory_space<vmem>>, vector<16x1xf32>
    %add3A_599 = vector.broadcast %transpose3A : vector<1x2048xf32> to vector<16x2048xf32>
    %add3A_600 = vector.broadcast %get3A_595 : vector<16x1xf32> to vector<16x2048xf32>
    %add3A_601 = arith.addf %add3A_599, %add3A_600 : vector<16x2048xf32>
    %slice3A_602 = vector.extract_strided_slice %dot_general3A_8 {offsets = [592, 0], sizes = [16, 2048], strides = [1, 1]} : vector<1024x2048xf32> to vector<16x2048xf32>
    %add3A_603 = arith.addf %add3A_601, %slice3A_602 : vector<16x2048xf32>
    %lt3A_604 = arith.cmpf olt, %add3A_603, %min3A_589 : vector<16x2048xf32>
    %min3A_605 = arith.minimumf %add3A_603, %min3A_589 : vector<16x2048xf32>
    %broadcast_in_dim3A_606 = vector.shape_cast %get3A_598 : vector<16x1xf32> to vector<16x1xf32>
    %broadcast_in_dim3A_607 = vector.broadcast %broadcast_in_dim3A_606 : vector<16x1xf32> to vector<16x2048xf32>
    %select_n3A_608 = arith.select %lt3A_604, %broadcast_in_dim3A_607, %select_n3A_592 : vector<16x2048xi1>, vector<16x2048xf32>
    %get3A_609 = arith.constant 608 : index
    %get3A_610 = arith.constant 0 : index
    %get3A_611 = vector.load %arg6[%get3A_609, %get3A_610] : memref<1024x1xf32, #tpu.memory_space<vmem>>, vector<16x1xf32>
    %get3A_612 = arith.constant 608 : index
    %get3A_613 = arith.constant 0 : index
    %get3A_614 = vector.load %arg7[%get3A_612, %get3A_613] : memref<1024x1xf32, #tpu.memory_space<vmem>>, vector<16x1xf32>
    %add3A_615 = vector.broadcast %transpose3A : vector<1x2048xf32> to vector<16x2048xf32>
    %add3A_616 = vector.broadcast %get3A_611 : vector<16x1xf32> to vector<16x2048xf32>
    %add3A_617 = arith.addf %add3A_615, %add3A_616 : vector<16x2048xf32>
    %slice3A_618 = vector.extract_strided_slice %dot_general3A_8 {offsets = [608, 0], sizes = [16, 2048], strides = [1, 1]} : vector<1024x2048xf32> to vector<16x2048xf32>
    %add3A_619 = arith.addf %add3A_617, %slice3A_618 : vector<16x2048xf32>
    %lt3A_620 = arith.cmpf olt, %add3A_619, %min3A_605 : vector<16x2048xf32>
    %min3A_621 = arith.minimumf %add3A_619, %min3A_605 : vector<16x2048xf32>
    %broadcast_in_dim3A_622 = vector.shape_cast %get3A_614 : vector<16x1xf32> to vector<16x1xf32>
    %broadcast_in_dim3A_623 = vector.broadcast %broadcast_in_dim3A_622 : vector<16x1xf32> to vector<16x2048xf32>
    %select_n3A_624 = arith.select %lt3A_620, %broadcast_in_dim3A_623, %select_n3A_608 : vector<16x2048xi1>, vector<16x2048xf32>
    %get3A_625 = arith.constant 624 : index
    %get3A_626 = arith.constant 0 : index
    %get3A_627 = vector.load %arg6[%get3A_625, %get3A_626] : memref<1024x1xf32, #tpu.memory_space<vmem>>, vector<16x1xf32>
    %get3A_628 = arith.constant 624 : index
    %get3A_629 = arith.constant 0 : index
    %get3A_630 = vector.load %arg7[%get3A_628, %get3A_629] : memref<1024x1xf32, #tpu.memory_space<vmem>>, vector<16x1xf32>
    %add3A_631 = vector.broadcast %transpose3A : vector<1x2048xf32> to vector<16x2048xf32>
    %add3A_632 = vector.broadcast %get3A_627 : vector<16x1xf32> to vector<16x2048xf32>
    %add3A_633 = arith.addf %add3A_631, %add3A_632 : vector<16x2048xf32>
    %slice3A_634 = vector.extract_strided_slice %dot_general3A_8 {offsets = [624, 0], sizes = [16, 2048], strides = [1, 1]} : vector<1024x2048xf32> to vector<16x2048xf32>
    %add3A_635 = arith.addf %add3A_633, %slice3A_634 : vector<16x2048xf32>
    %lt3A_636 = arith.cmpf olt, %add3A_635, %min3A_621 : vector<16x2048xf32>
    %min3A_637 = arith.minimumf %add3A_635, %min3A_621 : vector<16x2048xf32>
    %broadcast_in_dim3A_638 = vector.shape_cast %get3A_630 : vector<16x1xf32> to vector<16x1xf32>
    %broadcast_in_dim3A_639 = vector.broadcast %broadcast_in_dim3A_638 : vector<16x1xf32> to vector<16x2048xf32>
    %select_n3A_640 = arith.select %lt3A_636, %broadcast_in_dim3A_639, %select_n3A_624 : vector<16x2048xi1>, vector<16x2048xf32>
    %get3A_641 = arith.constant 640 : index
    %get3A_642 = arith.constant 0 : index
    %get3A_643 = vector.load %arg6[%get3A_641, %get3A_642] : memref<1024x1xf32, #tpu.memory_space<vmem>>, vector<16x1xf32>
    %get3A_644 = arith.constant 640 : index
    %get3A_645 = arith.constant 0 : index
    %get3A_646 = vector.load %arg7[%get3A_644, %get3A_645] : memref<1024x1xf32, #tpu.memory_space<vmem>>, vector<16x1xf32>
    %add3A_647 = vector.broadcast %transpose3A : vector<1x2048xf32> to vector<16x2048xf32>
    %add3A_648 = vector.broadcast %get3A_643 : vector<16x1xf32> to vector<16x2048xf32>
    %add3A_649 = arith.addf %add3A_647, %add3A_648 : vector<16x2048xf32>
    %slice3A_650 = vector.extract_strided_slice %dot_general3A_8 {offsets = [640, 0], sizes = [16, 2048], strides = [1, 1]} : vector<1024x2048xf32> to vector<16x2048xf32>
    %add3A_651 = arith.addf %add3A_649, %slice3A_650 : vector<16x2048xf32>
    %lt3A_652 = arith.cmpf olt, %add3A_651, %min3A_637 : vector<16x2048xf32>
    %min3A_653 = arith.minimumf %add3A_651, %min3A_637 : vector<16x2048xf32>
    %broadcast_in_dim3A_654 = vector.shape_cast %get3A_646 : vector<16x1xf32> to vector<16x1xf32>
    %broadcast_in_dim3A_655 = vector.broadcast %broadcast_in_dim3A_654 : vector<16x1xf32> to vector<16x2048xf32>
    %select_n3A_656 = arith.select %lt3A_652, %broadcast_in_dim3A_655, %select_n3A_640 : vector<16x2048xi1>, vector<16x2048xf32>
    %get3A_657 = arith.constant 656 : index
    %get3A_658 = arith.constant 0 : index
    %get3A_659 = vector.load %arg6[%get3A_657, %get3A_658] : memref<1024x1xf32, #tpu.memory_space<vmem>>, vector<16x1xf32>
    %get3A_660 = arith.constant 656 : index
    %get3A_661 = arith.constant 0 : index
    %get3A_662 = vector.load %arg7[%get3A_660, %get3A_661] : memref<1024x1xf32, #tpu.memory_space<vmem>>, vector<16x1xf32>
    %add3A_663 = vector.broadcast %transpose3A : vector<1x2048xf32> to vector<16x2048xf32>
    %add3A_664 = vector.broadcast %get3A_659 : vector<16x1xf32> to vector<16x2048xf32>
    %add3A_665 = arith.addf %add3A_663, %add3A_664 : vector<16x2048xf32>
    %slice3A_666 = vector.extract_strided_slice %dot_general3A_8 {offsets = [656, 0], sizes = [16, 2048], strides = [1, 1]} : vector<1024x2048xf32> to vector<16x2048xf32>
    %add3A_667 = arith.addf %add3A_665, %slice3A_666 : vector<16x2048xf32>
    %lt3A_668 = arith.cmpf olt, %add3A_667, %min3A_653 : vector<16x2048xf32>
    %min3A_669 = arith.minimumf %add3A_667, %min3A_653 : vector<16x2048xf32>
    %broadcast_in_dim3A_670 = vector.shape_cast %get3A_662 : vector<16x1xf32> to vector<16x1xf32>
    %broadcast_in_dim3A_671 = vector.broadcast %broadcast_in_dim3A_670 : vector<16x1xf32> to vector<16x2048xf32>
    %select_n3A_672 = arith.select %lt3A_668, %broadcast_in_dim3A_671, %select_n3A_656 : vector<16x2048xi1>, vector<16x2048xf32>
    %get3A_673 = arith.constant 672 : index
    %get3A_674 = arith.constant 0 : index
    %get3A_675 = vector.load %arg6[%get3A_673, %get3A_674] : memref<1024x1xf32, #tpu.memory_space<vmem>>, vector<16x1xf32>
    %get3A_676 = arith.constant 672 : index
    %get3A_677 = arith.constant 0 : index
    %get3A_678 = vector.load %arg7[%get3A_676, %get3A_677] : memref<1024x1xf32, #tpu.memory_space<vmem>>, vector<16x1xf32>
    %add3A_679 = vector.broadcast %transpose3A : vector<1x2048xf32> to vector<16x2048xf32>
    %add3A_680 = vector.broadcast %get3A_675 : vector<16x1xf32> to vector<16x2048xf32>
    %add3A_681 = arith.addf %add3A_679, %add3A_680 : vector<16x2048xf32>
    %slice3A_682 = vector.extract_strided_slice %dot_general3A_8 {offsets = [672, 0], sizes = [16, 2048], strides = [1, 1]} : vector<1024x2048xf32> to vector<16x2048xf32>
    %add3A_683 = arith.addf %add3A_681, %slice3A_682 : vector<16x2048xf32>
    %lt3A_684 = arith.cmpf olt, %add3A_683, %min3A_669 : vector<16x2048xf32>
    %min3A_685 = arith.minimumf %add3A_683, %min3A_669 : vector<16x2048xf32>
    %broadcast_in_dim3A_686 = vector.shape_cast %get3A_678 : vector<16x1xf32> to vector<16x1xf32>
    %broadcast_in_dim3A_687 = vector.broadcast %broadcast_in_dim3A_686 : vector<16x1xf32> to vector<16x2048xf32>
    %select_n3A_688 = arith.select %lt3A_684, %broadcast_in_dim3A_687, %select_n3A_672 : vector<16x2048xi1>, vector<16x2048xf32>
    %get3A_689 = arith.constant 688 : index
    %get3A_690 = arith.constant 0 : index
    %get3A_691 = vector.load %arg6[%get3A_689, %get3A_690] : memref<1024x1xf32, #tpu.memory_space<vmem>>, vector<16x1xf32>
    %get3A_692 = arith.constant 688 : index
    %get3A_693 = arith.constant 0 : index
    %get3A_694 = vector.load %arg7[%get3A_692, %get3A_693] : memref<1024x1xf32, #tpu.memory_space<vmem>>, vector<16x1xf32>
    %add3A_695 = vector.broadcast %transpose3A : vector<1x2048xf32> to vector<16x2048xf32>
    %add3A_696 = vector.broadcast %get3A_691 : vector<16x1xf32> to vector<16x2048xf32>
    %add3A_697 = arith.addf %add3A_695, %add3A_696 : vector<16x2048xf32>
    %slice3A_698 = vector.extract_strided_slice %dot_general3A_8 {offsets = [688, 0], sizes = [16, 2048], strides = [1, 1]} : vector<1024x2048xf32> to vector<16x2048xf32>
    %add3A_699 = arith.addf %add3A_697, %slice3A_698 : vector<16x2048xf32>
    %lt3A_700 = arith.cmpf olt, %add3A_699, %min3A_685 : vector<16x2048xf32>
    %min3A_701 = arith.minimumf %add3A_699, %min3A_685 : vector<16x2048xf32>
    %broadcast_in_dim3A_702 = vector.shape_cast %get3A_694 : vector<16x1xf32> to vector<16x1xf32>
    %broadcast_in_dim3A_703 = vector.broadcast %broadcast_in_dim3A_702 : vector<16x1xf32> to vector<16x2048xf32>
    %select_n3A_704 = arith.select %lt3A_700, %broadcast_in_dim3A_703, %select_n3A_688 : vector<16x2048xi1>, vector<16x2048xf32>
    %get3A_705 = arith.constant 704 : index
    %get3A_706 = arith.constant 0 : index
    %get3A_707 = vector.load %arg6[%get3A_705, %get3A_706] : memref<1024x1xf32, #tpu.memory_space<vmem>>, vector<16x1xf32>
    %get3A_708 = arith.constant 704 : index
    %get3A_709 = arith.constant 0 : index
    %get3A_710 = vector.load %arg7[%get3A_708, %get3A_709] : memref<1024x1xf32, #tpu.memory_space<vmem>>, vector<16x1xf32>
    %add3A_711 = vector.broadcast %transpose3A : vector<1x2048xf32> to vector<16x2048xf32>
    %add3A_712 = vector.broadcast %get3A_707 : vector<16x1xf32> to vector<16x2048xf32>
    %add3A_713 = arith.addf %add3A_711, %add3A_712 : vector<16x2048xf32>
    %slice3A_714 = vector.extract_strided_slice %dot_general3A_8 {offsets = [704, 0], sizes = [16, 2048], strides = [1, 1]} : vector<1024x2048xf32> to vector<16x2048xf32>
    %add3A_715 = arith.addf %add3A_713, %slice3A_714 : vector<16x2048xf32>
    %lt3A_716 = arith.cmpf olt, %add3A_715, %min3A_701 : vector<16x2048xf32>
    %min3A_717 = arith.minimumf %add3A_715, %min3A_701 : vector<16x2048xf32>
    %broadcast_in_dim3A_718 = vector.shape_cast %get3A_710 : vector<16x1xf32> to vector<16x1xf32>
    %broadcast_in_dim3A_719 = vector.broadcast %broadcast_in_dim3A_718 : vector<16x1xf32> to vector<16x2048xf32>
    %select_n3A_720 = arith.select %lt3A_716, %broadcast_in_dim3A_719, %select_n3A_704 : vector<16x2048xi1>, vector<16x2048xf32>
    %get3A_721 = arith.constant 720 : index
    %get3A_722 = arith.constant 0 : index
    %get3A_723 = vector.load %arg6[%get3A_721, %get3A_722] : memref<1024x1xf32, #tpu.memory_space<vmem>>, vector<16x1xf32>
    %get3A_724 = arith.constant 720 : index
    %get3A_725 = arith.constant 0 : index
    %get3A_726 = vector.load %arg7[%get3A_724, %get3A_725] : memref<1024x1xf32, #tpu.memory_space<vmem>>, vector<16x1xf32>
    %add3A_727 = vector.broadcast %transpose3A : vector<1x2048xf32> to vector<16x2048xf32>
    %add3A_728 = vector.broadcast %get3A_723 : vector<16x1xf32> to vector<16x2048xf32>
    %add3A_729 = arith.addf %add3A_727, %add3A_728 : vector<16x2048xf32>
    %slice3A_730 = vector.extract_strided_slice %dot_general3A_8 {offsets = [720, 0], sizes = [16, 2048], strides = [1, 1]} : vector<1024x2048xf32> to vector<16x2048xf32>
    %add3A_731 = arith.addf %add3A_729, %slice3A_730 : vector<16x2048xf32>
    %lt3A_732 = arith.cmpf olt, %add3A_731, %min3A_717 : vector<16x2048xf32>
    %min3A_733 = arith.minimumf %add3A_731, %min3A_717 : vector<16x2048xf32>
    %broadcast_in_dim3A_734 = vector.shape_cast %get3A_726 : vector<16x1xf32> to vector<16x1xf32>
    %broadcast_in_dim3A_735 = vector.broadcast %broadcast_in_dim3A_734 : vector<16x1xf32> to vector<16x2048xf32>
    %select_n3A_736 = arith.select %lt3A_732, %broadcast_in_dim3A_735, %select_n3A_720 : vector<16x2048xi1>, vector<16x2048xf32>
    %get3A_737 = arith.constant 736 : index
    %get3A_738 = arith.constant 0 : index
    %get3A_739 = vector.load %arg6[%get3A_737, %get3A_738] : memref<1024x1xf32, #tpu.memory_space<vmem>>, vector<16x1xf32>
    %get3A_740 = arith.constant 736 : index
    %get3A_741 = arith.constant 0 : index
    %get3A_742 = vector.load %arg7[%get3A_740, %get3A_741] : memref<1024x1xf32, #tpu.memory_space<vmem>>, vector<16x1xf32>
    %add3A_743 = vector.broadcast %transpose3A : vector<1x2048xf32> to vector<16x2048xf32>
    %add3A_744 = vector.broadcast %get3A_739 : vector<16x1xf32> to vector<16x2048xf32>
    %add3A_745 = arith.addf %add3A_743, %add3A_744 : vector<16x2048xf32>
    %slice3A_746 = vector.extract_strided_slice %dot_general3A_8 {offsets = [736, 0], sizes = [16, 2048], strides = [1, 1]} : vector<1024x2048xf32> to vector<16x2048xf32>
    %add3A_747 = arith.addf %add3A_745, %slice3A_746 : vector<16x2048xf32>
    %lt3A_748 = arith.cmpf olt, %add3A_747, %min3A_733 : vector<16x2048xf32>
    %min3A_749 = arith.minimumf %add3A_747, %min3A_733 : vector<16x2048xf32>
    %broadcast_in_dim3A_750 = vector.shape_cast %get3A_742 : vector<16x1xf32> to vector<16x1xf32>
    %broadcast_in_dim3A_751 = vector.broadcast %broadcast_in_dim3A_750 : vector<16x1xf32> to vector<16x2048xf32>
    %select_n3A_752 = arith.select %lt3A_748, %broadcast_in_dim3A_751, %select_n3A_736 : vector<16x2048xi1>, vector<16x2048xf32>
    %get3A_753 = arith.constant 752 : index
    %get3A_754 = arith.constant 0 : index
    %get3A_755 = vector.load %arg6[%get3A_753, %get3A_754] : memref<1024x1xf32, #tpu.memory_space<vmem>>, vector<16x1xf32>
    %get3A_756 = arith.constant 752 : index
    %get3A_757 = arith.constant 0 : index
    %get3A_758 = vector.load %arg7[%get3A_756, %get3A_757] : memref<1024x1xf32, #tpu.memory_space<vmem>>, vector<16x1xf32>
    %add3A_759 = vector.broadcast %transpose3A : vector<1x2048xf32> to vector<16x2048xf32>
    %add3A_760 = vector.broadcast %get3A_755 : vector<16x1xf32> to vector<16x2048xf32>
    %add3A_761 = arith.addf %add3A_759, %add3A_760 : vector<16x2048xf32>
    %slice3A_762 = vector.extract_strided_slice %dot_general3A_8 {offsets = [752, 0], sizes = [16, 2048], strides = [1, 1]} : vector<1024x2048xf32> to vector<16x2048xf32>
    %add3A_763 = arith.addf %add3A_761, %slice3A_762 : vector<16x2048xf32>
    %lt3A_764 = arith.cmpf olt, %add3A_763, %min3A_749 : vector<16x2048xf32>
    %min3A_765 = arith.minimumf %add3A_763, %min3A_749 : vector<16x2048xf32>
    %broadcast_in_dim3A_766 = vector.shape_cast %get3A_758 : vector<16x1xf32> to vector<16x1xf32>
    %broadcast_in_dim3A_767 = vector.broadcast %broadcast_in_dim3A_766 : vector<16x1xf32> to vector<16x2048xf32>
    %select_n3A_768 = arith.select %lt3A_764, %broadcast_in_dim3A_767, %select_n3A_752 : vector<16x2048xi1>, vector<16x2048xf32>
    %get3A_769 = arith.constant 768 : index
    %get3A_770 = arith.constant 0 : index
    %get3A_771 = vector.load %arg6[%get3A_769, %get3A_770] : memref<1024x1xf32, #tpu.memory_space<vmem>>, vector<16x1xf32>
    %get3A_772 = arith.constant 768 : index
    %get3A_773 = arith.constant 0 : index
    %get3A_774 = vector.load %arg7[%get3A_772, %get3A_773] : memref<1024x1xf32, #tpu.memory_space<vmem>>, vector<16x1xf32>
    %add3A_775 = vector.broadcast %transpose3A : vector<1x2048xf32> to vector<16x2048xf32>
    %add3A_776 = vector.broadcast %get3A_771 : vector<16x1xf32> to vector<16x2048xf32>
    %add3A_777 = arith.addf %add3A_775, %add3A_776 : vector<16x2048xf32>
    %slice3A_778 = vector.extract_strided_slice %dot_general3A_8 {offsets = [768, 0], sizes = [16, 2048], strides = [1, 1]} : vector<1024x2048xf32> to vector<16x2048xf32>
    %add3A_779 = arith.addf %add3A_777, %slice3A_778 : vector<16x2048xf32>
    %lt3A_780 = arith.cmpf olt, %add3A_779, %min3A_765 : vector<16x2048xf32>
    %min3A_781 = arith.minimumf %add3A_779, %min3A_765 : vector<16x2048xf32>
    %broadcast_in_dim3A_782 = vector.shape_cast %get3A_774 : vector<16x1xf32> to vector<16x1xf32>
    %broadcast_in_dim3A_783 = vector.broadcast %broadcast_in_dim3A_782 : vector<16x1xf32> to vector<16x2048xf32>
    %select_n3A_784 = arith.select %lt3A_780, %broadcast_in_dim3A_783, %select_n3A_768 : vector<16x2048xi1>, vector<16x2048xf32>
    %get3A_785 = arith.constant 784 : index
    %get3A_786 = arith.constant 0 : index
    %get3A_787 = vector.load %arg6[%get3A_785, %get3A_786] : memref<1024x1xf32, #tpu.memory_space<vmem>>, vector<16x1xf32>
    %get3A_788 = arith.constant 784 : index
    %get3A_789 = arith.constant 0 : index
    %get3A_790 = vector.load %arg7[%get3A_788, %get3A_789] : memref<1024x1xf32, #tpu.memory_space<vmem>>, vector<16x1xf32>
    %add3A_791 = vector.broadcast %transpose3A : vector<1x2048xf32> to vector<16x2048xf32>
    %add3A_792 = vector.broadcast %get3A_787 : vector<16x1xf32> to vector<16x2048xf32>
    %add3A_793 = arith.addf %add3A_791, %add3A_792 : vector<16x2048xf32>
    %slice3A_794 = vector.extract_strided_slice %dot_general3A_8 {offsets = [784, 0], sizes = [16, 2048], strides = [1, 1]} : vector<1024x2048xf32> to vector<16x2048xf32>
    %add3A_795 = arith.addf %add3A_793, %slice3A_794 : vector<16x2048xf32>
    %lt3A_796 = arith.cmpf olt, %add3A_795, %min3A_781 : vector<16x2048xf32>
    %min3A_797 = arith.minimumf %add3A_795, %min3A_781 : vector<16x2048xf32>
    %broadcast_in_dim3A_798 = vector.shape_cast %get3A_790 : vector<16x1xf32> to vector<16x1xf32>
    %broadcast_in_dim3A_799 = vector.broadcast %broadcast_in_dim3A_798 : vector<16x1xf32> to vector<16x2048xf32>
    %select_n3A_800 = arith.select %lt3A_796, %broadcast_in_dim3A_799, %select_n3A_784 : vector<16x2048xi1>, vector<16x2048xf32>
    %get3A_801 = arith.constant 800 : index
    %get3A_802 = arith.constant 0 : index
    %get3A_803 = vector.load %arg6[%get3A_801, %get3A_802] : memref<1024x1xf32, #tpu.memory_space<vmem>>, vector<16x1xf32>
    %get3A_804 = arith.constant 800 : index
    %get3A_805 = arith.constant 0 : index
    %get3A_806 = vector.load %arg7[%get3A_804, %get3A_805] : memref<1024x1xf32, #tpu.memory_space<vmem>>, vector<16x1xf32>
    %add3A_807 = vector.broadcast %transpose3A : vector<1x2048xf32> to vector<16x2048xf32>
    %add3A_808 = vector.broadcast %get3A_803 : vector<16x1xf32> to vector<16x2048xf32>
    %add3A_809 = arith.addf %add3A_807, %add3A_808 : vector<16x2048xf32>
    %slice3A_810 = vector.extract_strided_slice %dot_general3A_8 {offsets = [800, 0], sizes = [16, 2048], strides = [1, 1]} : vector<1024x2048xf32> to vector<16x2048xf32>
    %add3A_811 = arith.addf %add3A_809, %slice3A_810 : vector<16x2048xf32>
    %lt3A_812 = arith.cmpf olt, %add3A_811, %min3A_797 : vector<16x2048xf32>
    %min3A_813 = arith.minimumf %add3A_811, %min3A_797 : vector<16x2048xf32>
    %broadcast_in_dim3A_814 = vector.shape_cast %get3A_806 : vector<16x1xf32> to vector<16x1xf32>
    %broadcast_in_dim3A_815 = vector.broadcast %broadcast_in_dim3A_814 : vector<16x1xf32> to vector<16x2048xf32>
    %select_n3A_816 = arith.select %lt3A_812, %broadcast_in_dim3A_815, %select_n3A_800 : vector<16x2048xi1>, vector<16x2048xf32>
    %get3A_817 = arith.constant 816 : index
    %get3A_818 = arith.constant 0 : index
    %get3A_819 = vector.load %arg6[%get3A_817, %get3A_818] : memref<1024x1xf32, #tpu.memory_space<vmem>>, vector<16x1xf32>
    %get3A_820 = arith.constant 816 : index
    %get3A_821 = arith.constant 0 : index
    %get3A_822 = vector.load %arg7[%get3A_820, %get3A_821] : memref<1024x1xf32, #tpu.memory_space<vmem>>, vector<16x1xf32>
    %add3A_823 = vector.broadcast %transpose3A : vector<1x2048xf32> to vector<16x2048xf32>
    %add3A_824 = vector.broadcast %get3A_819 : vector<16x1xf32> to vector<16x2048xf32>
    %add3A_825 = arith.addf %add3A_823, %add3A_824 : vector<16x2048xf32>
    %slice3A_826 = vector.extract_strided_slice %dot_general3A_8 {offsets = [816, 0], sizes = [16, 2048], strides = [1, 1]} : vector<1024x2048xf32> to vector<16x2048xf32>
    %add3A_827 = arith.addf %add3A_825, %slice3A_826 : vector<16x2048xf32>
    %lt3A_828 = arith.cmpf olt, %add3A_827, %min3A_813 : vector<16x2048xf32>
    %min3A_829 = arith.minimumf %add3A_827, %min3A_813 : vector<16x2048xf32>
    %broadcast_in_dim3A_830 = vector.shape_cast %get3A_822 : vector<16x1xf32> to vector<16x1xf32>
    %broadcast_in_dim3A_831 = vector.broadcast %broadcast_in_dim3A_830 : vector<16x1xf32> to vector<16x2048xf32>
    %select_n3A_832 = arith.select %lt3A_828, %broadcast_in_dim3A_831, %select_n3A_816 : vector<16x2048xi1>, vector<16x2048xf32>
    %get3A_833 = arith.constant 832 : index
    %get3A_834 = arith.constant 0 : index
    %get3A_835 = vector.load %arg6[%get3A_833, %get3A_834] : memref<1024x1xf32, #tpu.memory_space<vmem>>, vector<16x1xf32>
    %get3A_836 = arith.constant 832 : index
    %get3A_837 = arith.constant 0 : index
    %get3A_838 = vector.load %arg7[%get3A_836, %get3A_837] : memref<1024x1xf32, #tpu.memory_space<vmem>>, vector<16x1xf32>
    %add3A_839 = vector.broadcast %transpose3A : vector<1x2048xf32> to vector<16x2048xf32>
    %add3A_840 = vector.broadcast %get3A_835 : vector<16x1xf32> to vector<16x2048xf32>
    %add3A_841 = arith.addf %add3A_839, %add3A_840 : vector<16x2048xf32>
    %slice3A_842 = vector.extract_strided_slice %dot_general3A_8 {offsets = [832, 0], sizes = [16, 2048], strides = [1, 1]} : vector<1024x2048xf32> to vector<16x2048xf32>
    %add3A_843 = arith.addf %add3A_841, %slice3A_842 : vector<16x2048xf32>
    %lt3A_844 = arith.cmpf olt, %add3A_843, %min3A_829 : vector<16x2048xf32>
    %min3A_845 = arith.minimumf %add3A_843, %min3A_829 : vector<16x2048xf32>
    %broadcast_in_dim3A_846 = vector.shape_cast %get3A_838 : vector<16x1xf32> to vector<16x1xf32>
    %broadcast_in_dim3A_847 = vector.broadcast %broadcast_in_dim3A_846 : vector<16x1xf32> to vector<16x2048xf32>
    %select_n3A_848 = arith.select %lt3A_844, %broadcast_in_dim3A_847, %select_n3A_832 : vector<16x2048xi1>, vector<16x2048xf32>
    %get3A_849 = arith.constant 848 : index
    %get3A_850 = arith.constant 0 : index
    %get3A_851 = vector.load %arg6[%get3A_849, %get3A_850] : memref<1024x1xf32, #tpu.memory_space<vmem>>, vector<16x1xf32>
    %get3A_852 = arith.constant 848 : index
    %get3A_853 = arith.constant 0 : index
    %get3A_854 = vector.load %arg7[%get3A_852, %get3A_853] : memref<1024x1xf32, #tpu.memory_space<vmem>>, vector<16x1xf32>
    %add3A_855 = vector.broadcast %transpose3A : vector<1x2048xf32> to vector<16x2048xf32>
    %add3A_856 = vector.broadcast %get3A_851 : vector<16x1xf32> to vector<16x2048xf32>
    %add3A_857 = arith.addf %add3A_855, %add3A_856 : vector<16x2048xf32>
    %slice3A_858 = vector.extract_strided_slice %dot_general3A_8 {offsets = [848, 0], sizes = [16, 2048], strides = [1, 1]} : vector<1024x2048xf32> to vector<16x2048xf32>
    %add3A_859 = arith.addf %add3A_857, %slice3A_858 : vector<16x2048xf32>
    %lt3A_860 = arith.cmpf olt, %add3A_859, %min3A_845 : vector<16x2048xf32>
    %min3A_861 = arith.minimumf %add3A_859, %min3A_845 : vector<16x2048xf32>
    %broadcast_in_dim3A_862 = vector.shape_cast %get3A_854 : vector<16x1xf32> to vector<16x1xf32>
    %broadcast_in_dim3A_863 = vector.broadcast %broadcast_in_dim3A_862 : vector<16x1xf32> to vector<16x2048xf32>
    %select_n3A_864 = arith.select %lt3A_860, %broadcast_in_dim3A_863, %select_n3A_848 : vector<16x2048xi1>, vector<16x2048xf32>
    %get3A_865 = arith.constant 864 : index
    %get3A_866 = arith.constant 0 : index
    %get3A_867 = vector.load %arg6[%get3A_865, %get3A_866] : memref<1024x1xf32, #tpu.memory_space<vmem>>, vector<16x1xf32>
    %get3A_868 = arith.constant 864 : index
    %get3A_869 = arith.constant 0 : index
    %get3A_870 = vector.load %arg7[%get3A_868, %get3A_869] : memref<1024x1xf32, #tpu.memory_space<vmem>>, vector<16x1xf32>
    %add3A_871 = vector.broadcast %transpose3A : vector<1x2048xf32> to vector<16x2048xf32>
    %add3A_872 = vector.broadcast %get3A_867 : vector<16x1xf32> to vector<16x2048xf32>
    %add3A_873 = arith.addf %add3A_871, %add3A_872 : vector<16x2048xf32>
    %slice3A_874 = vector.extract_strided_slice %dot_general3A_8 {offsets = [864, 0], sizes = [16, 2048], strides = [1, 1]} : vector<1024x2048xf32> to vector<16x2048xf32>
    %add3A_875 = arith.addf %add3A_873, %slice3A_874 : vector<16x2048xf32>
    %lt3A_876 = arith.cmpf olt, %add3A_875, %min3A_861 : vector<16x2048xf32>
    %min3A_877 = arith.minimumf %add3A_875, %min3A_861 : vector<16x2048xf32>
    %broadcast_in_dim3A_878 = vector.shape_cast %get3A_870 : vector<16x1xf32> to vector<16x1xf32>
    %broadcast_in_dim3A_879 = vector.broadcast %broadcast_in_dim3A_878 : vector<16x1xf32> to vector<16x2048xf32>
    %select_n3A_880 = arith.select %lt3A_876, %broadcast_in_dim3A_879, %select_n3A_864 : vector<16x2048xi1>, vector<16x2048xf32>
    %get3A_881 = arith.constant 880 : index
    %get3A_882 = arith.constant 0 : index
    %get3A_883 = vector.load %arg6[%get3A_881, %get3A_882] : memref<1024x1xf32, #tpu.memory_space<vmem>>, vector<16x1xf32>
    %get3A_884 = arith.constant 880 : index
    %get3A_885 = arith.constant 0 : index
    %get3A_886 = vector.load %arg7[%get3A_884, %get3A_885] : memref<1024x1xf32, #tpu.memory_space<vmem>>, vector<16x1xf32>
    %add3A_887 = vector.broadcast %transpose3A : vector<1x2048xf32> to vector<16x2048xf32>
    %add3A_888 = vector.broadcast %get3A_883 : vector<16x1xf32> to vector<16x2048xf32>
    %add3A_889 = arith.addf %add3A_887, %add3A_888 : vector<16x2048xf32>
    %slice3A_890 = vector.extract_strided_slice %dot_general3A_8 {offsets = [880, 0], sizes = [16, 2048], strides = [1, 1]} : vector<1024x2048xf32> to vector<16x2048xf32>
    %add3A_891 = arith.addf %add3A_889, %slice3A_890 : vector<16x2048xf32>
    %lt3A_892 = arith.cmpf olt, %add3A_891, %min3A_877 : vector<16x2048xf32>
    %min3A_893 = arith.minimumf %add3A_891, %min3A_877 : vector<16x2048xf32>
    %broadcast_in_dim3A_894 = vector.shape_cast %get3A_886 : vector<16x1xf32> to vector<16x1xf32>
    %broadcast_in_dim3A_895 = vector.broadcast %broadcast_in_dim3A_894 : vector<16x1xf32> to vector<16x2048xf32>
    %select_n3A_896 = arith.select %lt3A_892, %broadcast_in_dim3A_895, %select_n3A_880 : vector<16x2048xi1>, vector<16x2048xf32>
    %get3A_897 = arith.constant 896 : index
    %get3A_898 = arith.constant 0 : index
    %get3A_899 = vector.load %arg6[%get3A_897, %get3A_898] : memref<1024x1xf32, #tpu.memory_space<vmem>>, vector<16x1xf32>
    %get3A_900 = arith.constant 896 : index
    %get3A_901 = arith.constant 0 : index
    %get3A_902 = vector.load %arg7[%get3A_900, %get3A_901] : memref<1024x1xf32, #tpu.memory_space<vmem>>, vector<16x1xf32>
    %add3A_903 = vector.broadcast %transpose3A : vector<1x2048xf32> to vector<16x2048xf32>
    %add3A_904 = vector.broadcast %get3A_899 : vector<16x1xf32> to vector<16x2048xf32>
    %add3A_905 = arith.addf %add3A_903, %add3A_904 : vector<16x2048xf32>
    %slice3A_906 = vector.extract_strided_slice %dot_general3A_8 {offsets = [896, 0], sizes = [16, 2048], strides = [1, 1]} : vector<1024x2048xf32> to vector<16x2048xf32>
    %add3A_907 = arith.addf %add3A_905, %slice3A_906 : vector<16x2048xf32>
    %lt3A_908 = arith.cmpf olt, %add3A_907, %min3A_893 : vector<16x2048xf32>
    %min3A_909 = arith.minimumf %add3A_907, %min3A_893 : vector<16x2048xf32>
    %broadcast_in_dim3A_910 = vector.shape_cast %get3A_902 : vector<16x1xf32> to vector<16x1xf32>
    %broadcast_in_dim3A_911 = vector.broadcast %broadcast_in_dim3A_910 : vector<16x1xf32> to vector<16x2048xf32>
    %select_n3A_912 = arith.select %lt3A_908, %broadcast_in_dim3A_911, %select_n3A_896 : vector<16x2048xi1>, vector<16x2048xf32>
    %get3A_913 = arith.constant 912 : index
    %get3A_914 = arith.constant 0 : index
    %get3A_915 = vector.load %arg6[%get3A_913, %get3A_914] : memref<1024x1xf32, #tpu.memory_space<vmem>>, vector<16x1xf32>
    %get3A_916 = arith.constant 912 : index
    %get3A_917 = arith.constant 0 : index
    %get3A_918 = vector.load %arg7[%get3A_916, %get3A_917] : memref<1024x1xf32, #tpu.memory_space<vmem>>, vector<16x1xf32>
    %add3A_919 = vector.broadcast %transpose3A : vector<1x2048xf32> to vector<16x2048xf32>
    %add3A_920 = vector.broadcast %get3A_915 : vector<16x1xf32> to vector<16x2048xf32>
    %add3A_921 = arith.addf %add3A_919, %add3A_920 : vector<16x2048xf32>
    %slice3A_922 = vector.extract_strided_slice %dot_general3A_8 {offsets = [912, 0], sizes = [16, 2048], strides = [1, 1]} : vector<1024x2048xf32> to vector<16x2048xf32>
    %add3A_923 = arith.addf %add3A_921, %slice3A_922 : vector<16x2048xf32>
    %lt3A_924 = arith.cmpf olt, %add3A_923, %min3A_909 : vector<16x2048xf32>
    %min3A_925 = arith.minimumf %add3A_923, %min3A_909 : vector<16x2048xf32>
    %broadcast_in_dim3A_926 = vector.shape_cast %get3A_918 : vector<16x1xf32> to vector<16x1xf32>
    %broadcast_in_dim3A_927 = vector.broadcast %broadcast_in_dim3A_926 : vector<16x1xf32> to vector<16x2048xf32>
    %select_n3A_928 = arith.select %lt3A_924, %broadcast_in_dim3A_927, %select_n3A_912 : vector<16x2048xi1>, vector<16x2048xf32>
    %get3A_929 = arith.constant 928 : index
    %get3A_930 = arith.constant 0 : index
    %get3A_931 = vector.load %arg6[%get3A_929, %get3A_930] : memref<1024x1xf32, #tpu.memory_space<vmem>>, vector<16x1xf32>
    %get3A_932 = arith.constant 928 : index
    %get3A_933 = arith.constant 0 : index
    %get3A_934 = vector.load %arg7[%get3A_932, %get3A_933] : memref<1024x1xf32, #tpu.memory_space<vmem>>, vector<16x1xf32>
    %add3A_935 = vector.broadcast %transpose3A : vector<1x2048xf32> to vector<16x2048xf32>
    %add3A_936 = vector.broadcast %get3A_931 : vector<16x1xf32> to vector<16x2048xf32>
    %add3A_937 = arith.addf %add3A_935, %add3A_936 : vector<16x2048xf32>
    %slice3A_938 = vector.extract_strided_slice %dot_general3A_8 {offsets = [928, 0], sizes = [16, 2048], strides = [1, 1]} : vector<1024x2048xf32> to vector<16x2048xf32>
    %add3A_939 = arith.addf %add3A_937, %slice3A_938 : vector<16x2048xf32>
    %lt3A_940 = arith.cmpf olt, %add3A_939, %min3A_925 : vector<16x2048xf32>
    %min3A_941 = arith.minimumf %add3A_939, %min3A_925 : vector<16x2048xf32>
    %broadcast_in_dim3A_942 = vector.shape_cast %get3A_934 : vector<16x1xf32> to vector<16x1xf32>
    %broadcast_in_dim3A_943 = vector.broadcast %broadcast_in_dim3A_942 : vector<16x1xf32> to vector<16x2048xf32>
    %select_n3A_944 = arith.select %lt3A_940, %broadcast_in_dim3A_943, %select_n3A_928 : vector<16x2048xi1>, vector<16x2048xf32>
    %get3A_945 = arith.constant 944 : index
    %get3A_946 = arith.constant 0 : index
    %get3A_947 = vector.load %arg6[%get3A_945, %get3A_946] : memref<1024x1xf32, #tpu.memory_space<vmem>>, vector<16x1xf32>
    %get3A_948 = arith.constant 944 : index
    %get3A_949 = arith.constant 0 : index
    %get3A_950 = vector.load %arg7[%get3A_948, %get3A_949] : memref<1024x1xf32, #tpu.memory_space<vmem>>, vector<16x1xf32>
    %add3A_951 = vector.broadcast %transpose3A : vector<1x2048xf32> to vector<16x2048xf32>
    %add3A_952 = vector.broadcast %get3A_947 : vector<16x1xf32> to vector<16x2048xf32>
    %add3A_953 = arith.addf %add3A_951, %add3A_952 : vector<16x2048xf32>
    %slice3A_954 = vector.extract_strided_slice %dot_general3A_8 {offsets = [944, 0], sizes = [16, 2048], strides = [1, 1]} : vector<1024x2048xf32> to vector<16x2048xf32>
    %add3A_955 = arith.addf %add3A_953, %slice3A_954 : vector<16x2048xf32>
    %lt3A_956 = arith.cmpf olt, %add3A_955, %min3A_941 : vector<16x2048xf32>
    %min3A_957 = arith.minimumf %add3A_955, %min3A_941 : vector<16x2048xf32>
    %broadcast_in_dim3A_958 = vector.shape_cast %get3A_950 : vector<16x1xf32> to vector<16x1xf32>
    %broadcast_in_dim3A_959 = vector.broadcast %broadcast_in_dim3A_958 : vector<16x1xf32> to vector<16x2048xf32>
    %select_n3A_960 = arith.select %lt3A_956, %broadcast_in_dim3A_959, %select_n3A_944 : vector<16x2048xi1>, vector<16x2048xf32>
    %get3A_961 = arith.constant 960 : index
    %get3A_962 = arith.constant 0 : index
    %get3A_963 = vector.load %arg6[%get3A_961, %get3A_962] : memref<1024x1xf32, #tpu.memory_space<vmem>>, vector<16x1xf32>
    %get3A_964 = arith.constant 960 : index
    %get3A_965 = arith.constant 0 : index
    %get3A_966 = vector.load %arg7[%get3A_964, %get3A_965] : memref<1024x1xf32, #tpu.memory_space<vmem>>, vector<16x1xf32>
    %add3A_967 = vector.broadcast %transpose3A : vector<1x2048xf32> to vector<16x2048xf32>
    %add3A_968 = vector.broadcast %get3A_963 : vector<16x1xf32> to vector<16x2048xf32>
    %add3A_969 = arith.addf %add3A_967, %add3A_968 : vector<16x2048xf32>
    %slice3A_970 = vector.extract_strided_slice %dot_general3A_8 {offsets = [960, 0], sizes = [16, 2048], strides = [1, 1]} : vector<1024x2048xf32> to vector<16x2048xf32>
    %add3A_971 = arith.addf %add3A_969, %slice3A_970 : vector<16x2048xf32>
    %lt3A_972 = arith.cmpf olt, %add3A_971, %min3A_957 : vector<16x2048xf32>
    %min3A_973 = arith.minimumf %add3A_971, %min3A_957 : vector<16x2048xf32>
    %broadcast_in_dim3A_974 = vector.shape_cast %get3A_966 : vector<16x1xf32> to vector<16x1xf32>
    %broadcast_in_dim3A_975 = vector.broadcast %broadcast_in_dim3A_974 : vector<16x1xf32> to vector<16x2048xf32>
    %select_n3A_976 = arith.select %lt3A_972, %broadcast_in_dim3A_975, %select_n3A_960 : vector<16x2048xi1>, vector<16x2048xf32>
    %get3A_977 = arith.constant 976 : index
    %get3A_978 = arith.constant 0 : index
    %get3A_979 = vector.load %arg6[%get3A_977, %get3A_978] : memref<1024x1xf32, #tpu.memory_space<vmem>>, vector<16x1xf32>
    %get3A_980 = arith.constant 976 : index
    %get3A_981 = arith.constant 0 : index
    %get3A_982 = vector.load %arg7[%get3A_980, %get3A_981] : memref<1024x1xf32, #tpu.memory_space<vmem>>, vector<16x1xf32>
    %add3A_983 = vector.broadcast %transpose3A : vector<1x2048xf32> to vector<16x2048xf32>
    %add3A_984 = vector.broadcast %get3A_979 : vector<16x1xf32> to vector<16x2048xf32>
    %add3A_985 = arith.addf %add3A_983, %add3A_984 : vector<16x2048xf32>
    %slice3A_986 = vector.extract_strided_slice %dot_general3A_8 {offsets = [976, 0], sizes = [16, 2048], strides = [1, 1]} : vector<1024x2048xf32> to vector<16x2048xf32>
    %add3A_987 = arith.addf %add3A_985, %slice3A_986 : vector<16x2048xf32>
    %lt3A_988 = arith.cmpf olt, %add3A_987, %min3A_973 : vector<16x2048xf32>
    %min3A_989 = arith.minimumf %add3A_987, %min3A_973 : vector<16x2048xf32>
    %broadcast_in_dim3A_990 = vector.shape_cast %get3A_982 : vector<16x1xf32> to vector<16x1xf32>
    %broadcast_in_dim3A_991 = vector.broadcast %broadcast_in_dim3A_990 : vector<16x1xf32> to vector<16x2048xf32>
    %select_n3A_992 = arith.select %lt3A_988, %broadcast_in_dim3A_991, %select_n3A_976 : vector<16x2048xi1>, vector<16x2048xf32>
    %get3A_993 = arith.constant 992 : index
    %get3A_994 = arith.constant 0 : index
    %get3A_995 = vector.load %arg6[%get3A_993, %get3A_994] : memref<1024x1xf32, #tpu.memory_space<vmem>>, vector<16x1xf32>
    %get3A_996 = arith.constant 992 : index
    %get3A_997 = arith.constant 0 : index
    %get3A_998 = vector.load %arg7[%get3A_996, %get3A_997] : memref<1024x1xf32, #tpu.memory_space<vmem>>, vector<16x1xf32>
    %add3A_999 = vector.broadcast %transpose3A : vector<1x2048xf32> to vector<16x2048xf32>
    %add3A_1000 = vector.broadcast %get3A_995 : vector<16x1xf32> to vector<16x2048xf32>
    %add3A_1001 = arith.addf %add3A_999, %add3A_1000 : vector<16x2048xf32>
    %slice3A_1002 = vector.extract_strided_slice %dot_general3A_8 {offsets = [992, 0], sizes = [16, 2048], strides = [1, 1]} : vector<1024x2048xf32> to vector<16x2048xf32>
    %add3A_1003 = arith.addf %add3A_1001, %slice3A_1002 : vector<16x2048xf32>
    %lt3A_1004 = arith.cmpf olt, %add3A_1003, %min3A_989 : vector<16x2048xf32>
    %min3A_1005 = arith.minimumf %add3A_1003, %min3A_989 : vector<16x2048xf32>
    %broadcast_in_dim3A_1006 = vector.shape_cast %get3A_998 : vector<16x1xf32> to vector<16x1xf32>
    %broadcast_in_dim3A_1007 = vector.broadcast %broadcast_in_dim3A_1006 : vector<16x1xf32> to vector<16x2048xf32>
    %select_n3A_1008 = arith.select %lt3A_1004, %broadcast_in_dim3A_1007, %select_n3A_992 : vector<16x2048xi1>, vector<16x2048xf32>
    %get3A_1009 = arith.constant 1008 : index
    %get3A_1010 = arith.constant 0 : index
    %get3A_1011 = vector.load %arg6[%get3A_1009, %get3A_1010] : memref<1024x1xf32, #tpu.memory_space<vmem>>, vector<16x1xf32>
    %get3A_1012 = arith.constant 1008 : index
    %get3A_1013 = arith.constant 0 : index
    %get3A_1014 = vector.load %arg7[%get3A_1012, %get3A_1013] : memref<1024x1xf32, #tpu.memory_space<vmem>>, vector<16x1xf32>
    %add3A_1015 = vector.broadcast %transpose3A : vector<1x2048xf32> to vector<16x2048xf32>
    %add3A_1016 = vector.broadcast %get3A_1011 : vector<16x1xf32> to vector<16x2048xf32>
    %add3A_1017 = arith.addf %add3A_1015, %add3A_1016 : vector<16x2048xf32>
    %slice3A_1018 = vector.extract_strided_slice %dot_general3A_8 {offsets = [1008, 0], sizes = [16, 2048], strides = [1, 1]} : vector<1024x2048xf32> to vector<16x2048xf32>
    %add3A_1019 = arith.addf %add3A_1017, %slice3A_1018 : vector<16x2048xf32>
    %lt3A_1020 = arith.cmpf olt, %add3A_1019, %min3A_1005 : vector<16x2048xf32>
    %min3A_1021 = arith.minimumf %add3A_1019, %min3A_1005 : vector<16x2048xf32>
    %broadcast_in_dim3A_1022 = vector.shape_cast %get3A_1014 : vector<16x1xf32> to vector<16x1xf32>
    %broadcast_in_dim3A_1023 = vector.broadcast %broadcast_in_dim3A_1022 : vector<16x1xf32> to vector<16x2048xf32>
    %select_n3A_1024 = arith.select %lt3A_1020, %broadcast_in_dim3A_1023, %select_n3A_1008 : vector<16x2048xi1>, vector<16x2048xf32>
    %reduce_min3A = arith.constant dense<0x7F800000> : vector<2048xf32>
    %reduce_min3A_1025 = vector.multi_reduction <minimumf>, %min3A_1021, %reduce_min3A [0] : vector<16x2048xf32> to vector<2048xf32>
    %broadcast_in_dim3A_1026 = vector.shape_cast %reduce_min3A_1025 : vector<2048xf32> to vector<1x2048xf32>
    %eq3A_1027 = vector.broadcast %broadcast_in_dim3A_1026 : vector<1x2048xf32> to vector<16x2048xf32>
    %eq3A_1028 = arith.cmpf oeq, %min3A_1021, %eq3A_1027 : vector<16x2048xf32>
    %jit3A = arith.constant 1.024000e+03 : f32
    %broadcast_in_dim3A_1029 = vector.broadcast %jit3A : f32 to vector<16x2048xf32>
    %select_n3A_1030 = arith.select %eq3A_1028, %select_n3A_1024, %broadcast_in_dim3A_1029 : vector<16x2048xi1>, vector<16x2048xf32>
    %reduce_min3A_1031 = arith.constant dense<0x7F800000> : vector<2048xf32>
    %reduce_min3A_1032 = vector.multi_reduction <minimumf>, %select_n3A_1030, %reduce_min3A_1031 [0] : vector<16x2048xf32> to vector<2048xf32>
    %convert_element_type3A_1033 = arith.fptosi %reduce_min3A_1032 : vector<2048xf32> to vector<2048xi32>
    %reshape3A = vector.shape_cast %convert_element_type3A_1033 : vector<2048xi32> to vector<2x8x128xi32>
    %swap3A = arith.constant 0 : index
    %swap3A_1034 = arith.constant 0 : index
    %swap3A_1035 = arith.constant 0 : index
    %swap3A_1036 = vector.load %arg3[%swap3A, %swap3A_1034, %swap3A_1035] : memref<2x8x128xi32, #tpu.memory_space<vmem>>, vector<2x8x128xi32>
    tpu.vector_store %arg3[%swap3A, %swap3A_1034, %swap3A_1035], %reshape3A {strides = array<i32>} : memref<2x8x128xi32, #tpu.memory_space<vmem>>, vector<2x8x128xi32>,
    %get3A_1037 = arith.constant 0 : index
    %get3A_1038 = arith.constant 0 : index
    %get3A_1039 = vector.load %arg4[%get3A_1037, %get3A_1038] : memref<1x1xf32, #tpu.memory_space<vmem>>, vector<1x1xf32>
    %reduce_sum3A_1040 = arith.constant dense<0.000000e+00> : vector<1xf32>
    %reduce_sum3A_1041 = vector.multi_reduction <add>, %broadcast_in_dim3A_1026, %reduce_sum3A_1040 [1] : vector<1x2048xf32> to vector<1xf32>
    %broadcast_in_dim3A_1042 = vector.shape_cast %reduce_sum3A_1041 : vector<1xf32> to vector<1x1xf32>
    %add3A_1043 = arith.addf %get3A_1039, %broadcast_in_dim3A_1042 : vector<1x1xf32>
    %swap3A_1044 = arith.constant 0 : index
    %swap3A_1045 = arith.constant 0 : index
    %swap3A_1046 = vector.load %arg4[%swap3A_1044, %swap3A_1045] : memref<1x1xf32, #tpu.memory_space<vmem>>, vector<1x1xf32>
    tpu.vector_store %arg4[%swap3A_1044, %swap3A_1045], %add3A_1043 {strides = array<i32>} : memref<1x1xf32, #tpu.memory_space<vmem>>, vector<1x1xf32>,
    %eq3A_1047 = arith.constant 15 : i32
    %eq3A_1048 = arith.cmpi eq, %arg0, %eq3A_1047 : i32
    %convert_element_type3A_1049 = arith.extui %eq3A_1048 : i1 to i32
    %cond3A_1050 = arith.constant 0 : i32
    %cond3A_1051 = arith.cmpi ne, %convert_element_type3A_1049, %cond3A_1050 : i32
    scf.if %cond3A_1051 {
      %get3A_1052 = arith.constant 0 : index
      %get3A_1053 = arith.constant 0 : index
      %get3A_1054 = vector.load %arg4[%get3A_1052, %get3A_1053] : memref<1x1xf32, #tpu.memory_space<vmem>>, vector<1x1xf32>
      %mul3A_1055 = arith.constant 5.96046448E-7 : f32
      %mul3A_1056 = vector.broadcast %mul3A_1055 : f32 to vector<1x1xf32>
      %mul3A_1057 = arith.mulf %get3A_1054, %mul3A_1056 : vector<1x1xf32>
      %swap3A_1058 = arith.constant 0 : index
      %swap3A_1059 = arith.constant 0 : index
      %swap3A_1060 = vector.load %arg4[%swap3A_1058, %swap3A_1059] : memref<1x1xf32, #tpu.memory_space<vmem>>, vector<1x1xf32>
      tpu.vector_store %arg4[%swap3A_1058, %swap3A_1059], %mul3A_1057 {strides = array<i32>} : memref<1x1xf32, #tpu.memory_space<vmem>>, vector<1x1xf32>,
    } else {
    }
    return
  }
  func.func @transform_0(%arg0: i32) -> (i32, i32) {
    %c0_i32 = arith.constant 0 : i32
    %c0_i32_0 = arith.constant 0 : i32
    return %arg0, %c0_i32 : i32, i32
  }
  func.func @transform_1(%arg0: i32) -> (i32, i32) {
    %c0_i32 = arith.constant 0 : i32
    %c0_i32_0 = arith.constant 0 : i32
    %c0_i32_1 = arith.constant 0 : i32
    return %c0_i32, %c0_i32_0 : i32, i32
  }
  func.func @transform_2(%arg0: i32) -> (i32, i32, i32) {
    %c0_i32 = arith.constant 0 : i32
    %c0_i32_0 = arith.constant 0 : i32
    %c0_i32_1 = arith.constant 0 : i32
    return %arg0, %c0_i32, %c0_i32_0 : i32, i32, i32
  }
  func.func @transform_3(%arg0: i32) -> (i32, i32) {
    %c0_i32 = arith.constant 0 : i32
    %c0_i32_0 = arith.constant 0 : i32
    %c0_i32_1 = arith.constant 0 : i32
    return %c0_i32, %c0_i32_0 : i32, i32
  }
}

</mosaic_0001>

<sc_bundles>
// kernel: kernel.4.cloned.1.call-start
scs
__scs_entry_jumppad:
0x0: {  	(pc) =	sbr.rel $0x88, $3  }
0x1: {  	(tag) =	ssettag $0x0;
	lr =	simm.s32 $0x1  }
0x2: {  	[smem:$0x3F9F] =	sst lr;
	_ =	strace $0xD0000000  }
0x3: {  	_ = 	snop  }
0x4: {  	_ = 	snop  }
0x5: {  	_ = 	snop  }
0x6: {  	_ = 	snop  }
0x7: {  	_ = 	snop  }
__scs_overlays_trampoline_lowered:
0x8: {  	[smem:$0x3FAE] =	sst s0  }
0x9: {  	[smem:$0x3FAF] =	sst s1  }
0xa: {  	[smem:$0x3FB0] =	sst s2  }
0xb: {  	[smem:$0x3FB1] =	sst s3  }
0xc: {  	[smem:$0x3FB2] =	sst s4  }
0xd: {  	[smem:$0x3FB3] =	sst s5  }
0xe: {  	[smem:$0x3FB4] =	sst s6  }
0xf: {  	[smem:$0x3FB5] =	sst s7  }
0x10: {  	[smem:$0x3FB6] =	sst s8  }
0x11: {  	[smem:$0x3FB7] =	sst s9;
	s0 =	simm.s32 @!p0 $0x0  }
0x12: {  	s1 =	sld [smem:$0x3F9D];
	s0 =	simm.s32 @p0 $0x1  }
0x13: {  	[smem:$0x3FB8] =	sst s0;
	s0 =	simm.s32 @!p1 $0x0  }
0x14: {  	s2 =	sld [smem:$0x3F9C];
	s0 =	simm.s32 @p1 $0x1  }
0x15: {  	[smem:$0x3FB9] =	sst s0;
	s0 =	simm.s32 @!p2 $0x0  }
0x16: {  	s3 =	sld [smem:$0x3FDB];
	s0 =	simm.s32 @p2 $0x1  }
0x17: {  	s4 =	simm.s32 $0x1BF5;
	[smem:$0x3FBB] =	sst s0  }
0x18: {  	s0 =	sld [smem:$0x3F9E];
	_ =	swait.ge [sflag:s4], $0x0  }
0x19: {  	s7 =	sld [smem:$0x3F9F]  }
0x1a: {  	s8 =	sadd.s32 $0xFFFFE003, lr  }
0x1b: {  	s9 =	sadd.s32 $0xFFFFFEF7, lr;
	s5 =	simm.s32 $0xFFFFFFFF;
	p2 =	slt.u32 s8, $0xFFFFF086  }
0x1c: {  	p1 =	slt.u32 s9, $0xF7A;
	s5 =	simm.s32 @!p2 $0x0  }
0x1d: {  	s5 =	simm.s32 @p1 $0x1;
	p0 =	seq.s32 s7, s2  }
0x1e: {  	s7 =	smul.u32 @!p0 $0xF7A, s2;
	p2 =	seq.s32 @!p0 s5, $0x0  }
0x1f: {  	s9 =	smul.u32 $0xF7A, s1;
	s8 =	simm.s32 @!p0 $0x1BF5;
	p2 =	por !p2, p0  }
0x20: {  	[sflag:s8] =	ssyncset.s32 @!p0 $0xFFFFF086;
	s6 =	sadd.s32 @!p0 s3, s7;
	s7 =	simm.s32 @!p0 $0x108  }
0x21: {  	s3 =	sadd.s32 s3, s9;
	s6 =	sadd.s32 @!p0 $0x88, s6;
	s7 =	simm.s32 @p2 $0x1082  }
0x22: {  	[simem:s7], [sflag:s8] =	dma.local @!p0 [hbm:s6], $0xF7A  }
0x23: {  	s9 =	sor.u32 $0xD0000000, s2;
	s6 =	simm.s32 $0x108;
	_ =	swait.ge @!p0 [sflag:s8], $0x0  }
0x24: {  	s3 =	sadd.s32 $0x88, s3;
	s6 =	simm.s32 @!p1 $0x1082;
	[sflag:s4] =	ssyncset.s32 $0xFFFFF086  }
0x25: {  	[simem:s6], [sflag:s4] =	dma.local [hbm:s3], $0xF7A  }
0x26: {  	[smem:$0x3F9F] =	sst s1;
	(tag) =	ssettag s2;
	_ =	strace s9  }
0x27: {  	s1 =	sld [smem:$0x3FAF]  }
0x28: {  	s2 =	sld [smem:$0x3FB0]  }
0x29: {  	s4 =	sld [smem:$0x3FB2]  }
0x2a: {  	p0 =	seq.s32 s5, $0x0;
	s5 =	sld [smem:$0x3FB3]  }
0x2b: {  	s6 =	sld [smem:$0x3FB4]  }
0x2c: {  	s7 =	sld [smem:$0x3FB5]  }
0x2d: {  	s3 =	simm.s32 $0x108;
	s8 =	sld [smem:$0x3FB6]  }
0x2e: {  	s3 =	simm.s32 @!p0 $0x1082;
	s9 =	sld [smem:$0x3FB7]  }
0x2f: {  	lr =	sadd.s32 s0, s3;
	s0 =	sld [smem:$0x3FAE]  }
0x30: {  	s3 =	sld [smem:$0x3FB1]  }
0x31: {  	[smem:$0x3FBA] =	sst s10  }
0x32: {  	s10 =	sld [smem:$0x3FB8];
	_ =	sdelay $0x3  }
0x33: {  	p0 =	seq.s32 s10, $0x1;
	s10 =	sld [smem:$0x3FBA];
	_ =	sdelay $0x3  }
0x34: {  	[smem:$0x3FBA] =	sst s10  }
0x35: {  	s10 =	sld [smem:$0x3FB9];
	_ =	sdelay $0x3  }
0x36: {  	p1 =	seq.s32 s10, $0x1;
	s10 =	sld [smem:$0x3FBA];
	_ =	sdelay $0x3  }
0x37: {  	[smem:$0x3FBA] =	sst s10  }
0x38: {  	s10 =	sld [smem:$0x3FBB]  }
0x39: {  	_ = 	snop;
	(pc) =	sbr.ind lr, $3  }
0x3a: {  	_ = 	snop  }
0x3b: {  	_ = 	snop  }
0x3c: {  	p2 =	seq.s32 s10, $0x1;
	s10 =	sld [smem:$0x3FBA]  }
0x3d: {  	_ =	shalt  }
0x3e: {  	_ =	shalt  }
0x3f: {  	_ =	shalt  }
0x40: {  	_ =	shalt  }
0x41: {  	_ =	shalt  }
0x42: {  	_ =	shalt  }
0x43: {  	_ =	shalt  }
0x44: {  	_ =	shalt  }
0x45: {  	_ =	shalt  }
0x46: {  	_ =	shalt  }
0x47: {  	_ =	shalt  }
0x48: {  	_ =	shalt  }
0x49: {  	_ =	shalt  }
0x4a: {  	_ =	shalt  }
0x4b: {  	_ =	shalt  }
0x4c: {  	_ =	shalt  }
0x4d: {  	_ =	shalt  }
0x4e: {  	_ =	shalt  }
0x4f: {  	_ =	shalt  }
0x50: {  	_ =	shalt  }
0x51: {  	_ =	shalt  }
0x52: {  	_ =	shalt  }
0x53: {  	_ =	shalt  }
0x54: {  	_ =	shalt  }
0x55: {  	_ =	shalt  }
0x56: {  	_ =	shalt  }
0x57: {  	_ =	shalt  }
0x58: {  	_ =	shalt  }
0x59: {  	_ =	shalt  }
0x5a: {  	_ =	shalt  }
0x5b: {  	_ =	shalt  }
0x5c: {  	_ =	shalt  }
0x5d: {  	_ =	shalt  }
0x5e: {  	_ =	shalt  }
0x5f: {  	_ =	shalt  }
0x60: {  	_ =	shalt  }
0x61: {  	_ =	shalt  }
0x62: {  	_ =	shalt  }
0x63: {  	_ =	shalt  }
0x64: {  	_ =	shalt  }
0x65: {  	_ =	shalt  }
0x66: {  	_ =	shalt  }
0x67: {  	_ =	shalt  }
0x68: {  	_ =	shalt  }
0x69: {  	_ =	shalt  }
0x6a: {  	_ =	shalt  }
0x6b: {  	_ =	shalt  }
0x6c: {  	_ =	shalt  }
0x6d: {  	_ =	shalt  }
0x6e: {  	_ =	shalt  }
0x6f: {  	_ =	shalt  }
0x70: {  	_ =	shalt  }
0x71: {  	_ =	shalt  }
0x72: {  	_ =	shalt  }
0x73: {  	_ =	shalt  }
0x74: {  	_ =	shalt  }
0x75: {  	_ =	shalt  }
0x76: {  	_ =	shalt  }
0x77: {  	_ =	shalt  }
0x78: {  	_ =	shalt  }
0x79: {  	_ =	shalt  }
0x7a: {  	_ =	shalt  }
0x7b: {  	_ =	shalt  }
0x7c: {  	_ =	shalt  }
0x7d: {  	_ =	shalt  }
0x7e: {  	_ =	shalt  }
0x7f: {  	_ =	shalt  }
0x80: {  	_ =	shalt  }
0x81: {  	_ =	shalt  }
0x82: {  	_ =	shalt  }
0x83: {  	_ =	shalt  }
0x84: {  	_ =	shalt  }
0x85: {  	_ =	shalt  }
0x86: {  	_ =	shalt  }
0x87: {  	_ =	shalt  }
.Lfunc_end0:
.L_simem_size_0:
called_computation_lowered:
.L_overlay_start_0:
0x88: {  	s2 =	sld [smem:$0x3FD9]  }
0x89: {  	s3 =	sld [smem:$0x3FFE];
	_ =	sdelay $0x1  }
0x8a: {  	s1 =	srdreg.scid  }
0x8b: {  	s0 =	sand.u32 $0x1, s1  }
0x8c: {  	s14 =	sshll.u32 s0, $0xA;
	s2 =	sadd.s32 s3, s2  }
0x8d: {  	s2 =	sadd.s32 s2, s14  }
0x8e: {  	[smem:$0x3FC6] =	sst s2  }
0x8f: {  	_ = 	snop  }
0x90: {  	s2 =	sld [smem:$0x3FD0];
	_ =	sdelay $0x2  }
0x91: {  	s15 =	simm.s32 $0xA;
	s4 =	simm.s32 $0x10  }
0x92: {  	[smem:s4], [sflag:s15] =	dma.local [hbm:s2], $0x1  }
0x93: {  	_ =	swait.eq [sflag:s15], $0x1  }
0x94: {  	[sflag:s15] =	ssyncset.done $0x0  }
0x95: {  	[sflag:s15] =	ssyncadd.s32 $0xFFFFFFFF  }
0x96: {  	s16 =	sld [smem:$0x10];
	(tm) =	ssettm $0x1  }
0x97: {  	s17 =	sld [smem:$0x3FFB];
	_ =	sdelay $0x3  }
0x98: {  	_ =	strace s17  }
0x99: {  	s3 =	sld [smem:$0x3FFC];
	_ =	sdelay $0x3  }
0x9a: {  	_ =	strace s3  }
0x9b: {  	s3 =	sld [smem:$0x3FFD];
	_ =	sdelay $0x3  }
0x9c: {  	_ =	strace s3  }
0x9d: {  	_ =	strace $0x8FFFFFFF  }
0x9e: {  	s18 =	sld [smem:$0x3FDB];
	_ =	sdelay $0x1  }
0x9f: {  	s19 =	simm.s32 $_scs_section_size  }
0xa0: {  	s5 =	simm.s32 $_size__tile_overlayer_lowered;
	s6 =	simm.s32 $_tile_overlayer_lowered  }
0xa1: {  	s22 =	simm.s32 $0x1BFF;
	s21 =	sshll.u32 s6, $0x1;
	s3 =	sadd.s32 s19, s18  }
0xa2: {  	s7 =	simm.s32 $0x0;
	s20 =	sshll.u32 s5, $0x1;
	s5 =	sadd.s32 s21, s3  }
0xa3: {  	[timem:s7], [sflag:s22] =	dma.local [hbm:s5], s20  }
0xa4: {  	_ =	swait.ge [sflag:s22], s20  }
0xa5: {  	s4 =	ssub.s32 $0x0, s20;
	[sflag:s22] =	ssyncset.done $0x0  }
0xa6: {  	[sflag:s22] =	ssyncadd.s32 s4;
	_ =	sdelay $0x1  }
0xa7: {  	s23 =	simm.s32 $0x1B8B  }
0xa8: {  	_ =	swait.ge [sflag:s23], $0x1  }
0xa9: {  	[sflag:s23] =	ssyncset.done $0x0  }
0xaa: {  	s25 =	simm.s32 $0x1B8E;
	s24 =	sld [smem:$0x3FFE];
	[sflag:s23] =	ssyncadd.s32 $0xFFFFFFFF  }
0xab: {  	s26 =	simm.s32 $execute0_lowered;
	[smem:$0x3FD2] =	sst s25  }
0xac: {  	s5 =	sshll.u32 s26, $0x1;
	_ =	strace $0x80000046;
	[dreg:$0x1] =	wrdreg $0xFFFFFFFF  }
0xad: {  	s28 =	simm.s32 $_size_execute0_lowered;
	s3 =	sadd.s32 s3, s5;
	[dreg:$0x0] =	wrdreg $0x0  }
0xae: {  	s5 =	sshll.u32 s28, $0x1;
	[dreg:$0x2] =	wrdreg s3  }
0xaf: {  	[dreg:$0x3] =	wrdreg s5  }
0xb0: {  	[dreg:$0x4] =	wrdreg $0xC0  }
0xb1: {  	_ =	task [dreg:s7], $0x5FFFF  }
0xb2: {  	[dreg:$0x1] =	wrdreg $0xFFFFFFFF  }
0xb3: {  	[dreg:$0x0] =	wrdreg $0x60  }
0xb4: {  	[dreg:$0x2] =	wrdreg s24  }
0xb5: {  	[dreg:$0x3] =	wrdreg s16  }
0xb6: {  	[dreg:$0x4] =	wrdreg $0x9  }
0xb7: {  	_ =	task.clear_ibuf [dreg:s7], $0x5FFFF;
	_ =	strace $0x90000046  }
0xb8: {  	s29 =	simm.s32 $0x9;
	_ =	strace $0x80000048  }
0xb9: {  	_ =	swait.ge [sflag:s29], $0x1  }
0xba: {  	[sflag:s29] =	ssyncadd.s32 $0xFFFFFFFF  }
0xbb: {  	_ =	strace $0x90000048  }
0xbc: {  	_ =	sfence  }
0xbd: {  	s30 =	sld [smem:$0x0];
	_ =	sdelay $0x2  }
0xbe: {  	s31 =	sshll.u32 s1, $0xD;
	s1 =	sshrl.u32 s1, $0x2  }
0xbf: {  	s3 =	sand.u32 $0x4000, s31;
	s1 =	sadd.s32 s1, s30  }
0xc0: {  	s0 =	sor.u32 s3, s0;
	s1 =	sshll.u32 s1, $0x11  }
0xc1: {  	s0 =	sor.u32 s1, s0  }
0xc2: {  	s0 =	sadd.s32 $0x8F2B, s0  }
0xc3: {  	[sflag:s0] =	ssyncadd.remote.s32 $0x1  }
0xc4: {  	_ =	sfence.sel $0xFFFF  }
0xc5: {  	[dreg:$0x0] =	wrdreg $0xFFFFFFFF;
	(pc) =	sbr.abs _section_cstart, $3  }
0xc6: {  	[dreg:$0x1] =	wrdreg $0xFFFFFFFF  }
0xc7: {  	_ =	task.clear_ibuf [dreg:s7], $0x2FFFF;
	_ =	strace $0x9FFFFFFF  }
0xc8: {  	(tm) =	ssettm $0x7FFFFFFF  }
0xc9: {  	_ =	shalt  }
tec
execute0_lowered:
.L_overlay_start_1:
0x0: {  	(tag) =	ssettag $0x1  }
0x1: {  	s1 =	srdreg.scid;
	s0 =	stileid.u32  }
0x2: {  	s14 =	rddreg [dreg:$0x0];
	s25 =	sand.u32 $0x1, s1;
	s30 =	sshll.u32 s0, $0x1  }
0x3: {  	s2 =	rddreg [dreg:$0x1];
	s15 =	sor.u32 s25, s30  }
0x4: {  	s3 =	simm.s32 $0x0;
	s1 =	rddreg [dreg:$0x2];
	s4 =	sshll.u32 s15, $0x7  }
0x5: {  	[smem:$0x7FF] =	sst s3;
	s4 =	sadd.s32 s4, s14  }
0x6: {  	_ =	strace $0x80000047;
	s5 =	sadd.s32 $0x800, s4;
	s4 =	simm.s32 $0x2  }
0x7: {  	[tilespmem:s3], [sflag:$0x2] =	stream.linear.gather [hbm4b:s5+s3], $0x400, $0x38;
	[tilespmem:$0x10400] =	vst v63  }
0x8: {  	_ =	swait.ge [sflag:s4], $0x400  }
0x9: {  	[sflag:s4] =	ssyncset.done $0x0  }
0xa: {  	s6 =	simm.s32 $0x80;
	s7 =	simm.s32 $0x400;
	[sflag:s4] =	ssyncadd.s32 $0xFFFFFC00  }
0xb: {  	[tilespmem:s7], [sflag:$0x1] =	stream.indirect.gather [hbm4b:s2+s6], $0x80, s3, s6, $0xb8;
	[tilespmem:$0x10400] =	vst v63  }
0xc: {  	s8 =	simm.s32 $0x4400  }
0xd: {  	[tilespmem:s8], [sflag:$0x1] =	stream.indirect.gather [hbm4b:s2+s6], $0x80, s6, s6, $0xb8;
	[tilespmem:$0x10400] =	vst v63  }
0xe: {  	s9 =	simm.s32 $0x100;
	s10 =	simm.s32 $0x8400  }
0xf: {  	[tilespmem:s10], [sflag:$0x1] =	stream.indirect.gather [hbm4b:s2+s6], $0x80, s9, s6, $0xb8;
	[tilespmem:$0x10400] =	vst v63  }
0x10: {  	s11 =	simm.s32 $0x180;
	s12 =	simm.s32 $0xC400;
	s13 =	simm.s32 $0x1  }
0x11: {  	[tilespmem:s12], [sflag:$0x1] =	stream.indirect.gather [hbm4b:s2+s6], $0x80, s11, s6, $0xb8;
	[tilespmem:$0x10400] =	vst v63  }
0x12: {  	s15 =	sshll.u32 s15, $0xE;
	_ =	swait.ge [sflag:s13], $0x4000  }
0x13: {  	s26 =	sadd.s32 s15, s14;
	[sflag:s13] =	ssyncset.done $0x0  }
0x14: {  	s14 =	sadd.s32 $0x1800, s26;
	[sflag:s13] =	ssyncadd.s32 $0xFFFFC000  }
0x15: {  	[hbm4b:s14+s3] =	stream.linear.scatter [tilespmem:s7], [sflag:$0x2], $0x4000, $0x38;
	[tilespmem:$0x10400] =	vst v63  }
0x16: {  	_ =	swait.ge [sflag:s4], $0x4000  }
0x17: {  	[sflag:s4] =	ssyncset.done $0x0  }
0x18: {  	s15 =	simm.s32 $0x200;
	[sflag:s4] =	ssyncadd.s32 $0xFFFFC000  }
0x19: {  	[tilespmem:s7], [sflag:$0x1] =	stream.indirect.gather [hbm4b:s2+s6], $0x80, s15, s6, $0xb8;
	[tilespmem:$0x10400] =	vst v63  }
0x1a: {  	_ =	swait.ge [sflag:s13], $0x4000  }
0x1b: {  	[sflag:s13] =	ssyncset.done $0x0  }
0x1c: {  	s16 =	sadd.s32 $0x2000, s26;
	[sflag:s13] =	ssyncadd.s32 $0xFFFFC000  }
0x1d: {  	[hbm4b:s16+s3] =	stream.linear.scatter [tilespmem:s8], [sflag:$0x2], $0x4000, $0x38;
	[tilespmem:$0x10400] =	vst v63  }
0x1e: {  	_ =	swait.ge [sflag:s4], $0x4000  }
0x1f: {  	[sflag:s4] =	ssyncset.done $0x0  }
0x20: {  	s17 =	simm.s32 $0x280;
	[sflag:s4] =	ssyncadd.s32 $0xFFFFC000  }
0x21: {  	[tilespmem:s8], [sflag:$0x1] =	stream.indirect.gather [hbm4b:s2+s6], $0x80, s17, s6, $0xb8;
	[tilespmem:$0x10400] =	vst v63  }
0x22: {  	_ =	swait.ge [sflag:s13], $0x4000  }
0x23: {  	[sflag:s13] =	ssyncset.done $0x0  }
0x24: {  	s18 =	sadd.s32 $0x2800, s26;
	[sflag:s13] =	ssyncadd.s32 $0xFFFFC000  }
0x25: {  	[hbm4b:s18+s3] =	stream.linear.scatter [tilespmem:s10], [sflag:$0x2], $0x4000, $0x38;
	[tilespmem:$0x10400] =	vst v63  }
0x26: {  	_ =	swait.ge [sflag:s4], $0x4000  }
0x27: {  	[sflag:s4] =	ssyncset.done $0x0  }
0x28: {  	s19 =	simm.s32 $0x300;
	[sflag:s4] =	ssyncadd.s32 $0xFFFFC000  }
0x29: {  	[tilespmem:s10], [sflag:$0x1] =	stream.indirect.gather [hbm4b:s2+s6], $0x80, s19, s6, $0xb8;
	[tilespmem:$0x10400] =	vst v63  }
0x2a: {  	_ =	swait.ge [sflag:s13], $0x4000  }
0x2b: {  	[sflag:s13] =	ssyncset.done $0x0  }
0x2c: {  	s20 =	sadd.s32 $0x3000, s26;
	[sflag:s13] =	ssyncadd.s32 $0xFFFFC000  }
0x2d: {  	[hbm4b:s20+s3] =	stream.linear.scatter [tilespmem:s12], [sflag:$0x2], $0x4000, $0x38;
	[tilespmem:$0x10400] =	vst v63  }
0x2e: {  	_ =	swait.ge [sflag:s4], $0x4000  }
0x2f: {  	[sflag:s4] =	ssyncset.done $0x0  }
0x30: {  	s21 =	simm.s32 $0x380;
	[sflag:s4] =	ssyncadd.s32 $0xFFFFC000  }
0x31: {  	[tilespmem:s12], [sflag:$0x1] =	stream.indirect.gather [hbm4b:s2+s6], $0x80, s21, s6, $0xb8;
	[tilespmem:$0x10400] =	vst v63  }
0x32: {  	_ =	swait.ge [sflag:s13], $0x4000  }
0x33: {  	[sflag:s13] =	ssyncset.done $0x0  }
0x34: {  	s22 =	sadd.s32 $0x3800, s26;
	[sflag:s13] =	ssyncadd.s32 $0xFFFFC000  }
0x35: {  	[hbm4b:s22+s3] =	stream.linear.scatter [tilespmem:s7], [sflag:$0x2], $0x4000, $0x38;
	[tilespmem:$0x10400] =	vst v63  }
0x36: {  	_ =	swait.ge [sflag:s4], $0x4000  }
0x37: {  	[sflag:s4] =	ssyncset.done $0x0  }
0x38: {  	[sflag:s4] =	ssyncadd.s32 $0xFFFFC000  }
0x39: {  	_ =	swait.ge [sflag:s13], $0x4000  }
0x3a: {  	[sflag:s13] =	ssyncset.done $0x0  }
0x3b: {  	s23 =	sadd.s32 $0x4000, s26;
	[sflag:s13] =	ssyncadd.s32 $0xFFFFC000  }
0x3c: {  	[hbm4b:s23+s3] =	stream.linear.scatter [tilespmem:s8], [sflag:$0x2], $0x4000, $0x38;
	[tilespmem:$0x10400] =	vst v63  }
0x3d: {  	_ =	swait.ge [sflag:s4], $0x4000  }
0x3e: {  	[sflag:s4] =	ssyncset.done $0x0  }
0x3f: {  	[sflag:s4] =	ssyncadd.s32 $0xFFFFC000  }
0x40: {  	_ =	swait.ge [sflag:s13], $0x4000  }
0x41: {  	[sflag:s13] =	ssyncset.done $0x0  }
0x42: {  	s25 =	ssub.s32 $0x2, s25;
	s24 =	sadd.s32 $0x4800, s26;
	[sflag:s13] =	ssyncadd.s32 $0xFFFFC000  }
0x43: {  	[hbm4b:s24+s3] =	stream.linear.scatter [tilespmem:s10], [sflag:$0x2], $0x4000, $0x38;
	[tilespmem:$0x10400] =	vst v63  }
0x44: {  	s28 =	sshrl.u32 s25, $0x1;
	_ =	swait.ge [sflag:s4], $0x4000  }
0x45: {  	s28 =	ssub.s32 s25, s28;
	[sflag:s4] =	ssyncset.done $0x0  }
0x46: {  	s31 =	smax.u32 s28, $0x1;
	[sflag:s4] =	ssyncadd.s32 $0xFFFFC000  }
0x47: {  	p0 =	sne.s32 s31, $0x1;
	_ =	swait.ge [sflag:s13], $0x4000  }
.Ltmp0:
0x48: {  	[sflag:s13] =	ssyncset.done $0x0;
	(pc) =	sbr.rel @!p0 .LBB2_2-.Ltmp0, $4  }
0x49: {  	s25 =	sadd.s32 $0x5000, s26;
	[sflag:s13] =	ssyncadd.s32 $0xFFFFC000  }
0x4a: {  	[hbm4b:s25+s3] =	stream.linear.scatter [tilespmem:s12], [sflag:$0x2], $0x4000, $0x38;
	[tilespmem:$0x10400] =	vst v63  }
0x4b: {  	_ =	swait.ge [sflag:s4], $0x4000  }
0x4c: {  	s26 =	sadd.s32 $0xFFFFFFFF, s31;
	[sflag:s4] =	ssyncset.done $0x0  }
.LBB2_1:
0x4d: {  	p0 =	sne.s32 s26, $0x1;
	s26 =	sadd.s32 $0xFFFFFFFF, s26;
	[sflag:s4] =	ssyncadd.s32 $0xFFFFC000  }
0x4e: {  	[tilespmem:s3], [sflag:$0x2] =	stream.linear.gather [hbm4b:s5+s3], $0x400, $0x38;
	[tilespmem:$0x10400] =	vst v63  }
0x4f: {  	_ =	swait.ge [sflag:s4], $0x400  }
0x50: {  	[sflag:s4] =	ssyncset.done $0x0  }
0x51: {  	[sflag:s4] =	ssyncadd.s32 $0xFFFFFC00  }
0x52: {  	[tilespmem:s7], [sflag:$0x1] =	stream.indirect.gather [hbm4b:s2+s6], $0x80, s3, s6, $0xb8;
	[tilespmem:$0x10400] =	vst v63  }
0x53: {  	_ = 	snop  }
0x54: {  	[tilespmem:s8], [sflag:$0x1] =	stream.indirect.gather [hbm4b:s2+s6], $0x80, s6, s6, $0xb8;
	[tilespmem:$0x10400] =	vst v63  }
0x55: {  	_ = 	snop  }
0x56: {  	[tilespmem:s10], [sflag:$0x1] =	stream.indirect.gather [hbm4b:s2+s6], $0x80, s9, s6, $0xb8;
	[tilespmem:$0x10400] =	vst v63  }
0x57: {  	_ = 	snop  }
0x58: {  	[tilespmem:s12], [sflag:$0x1] =	stream.indirect.gather [hbm4b:s2+s6], $0x80, s11, s6, $0xb8;
	[tilespmem:$0x10400] =	vst v63  }
0x59: {  	_ =	swait.ge [sflag:s13], $0x4000  }
0x5a: {  	[sflag:s13] =	ssyncset.done $0x0  }
0x5b: {  	[sflag:s13] =	ssyncadd.s32 $0xFFFFC000  }
0x5c: {  	[hbm4b:s14+s3] =	stream.linear.scatter [tilespmem:s7], [sflag:$0x2], $0x4000, $0x38;
	[tilespmem:$0x10400] =	vst v63  }
0x5d: {  	_ =	swait.ge [sflag:s4], $0x4000  }
0x5e: {  	[sflag:s4] =	ssyncset.done $0x0  }
0x5f: {  	[sflag:s4] =	ssyncadd.s32 $0xFFFFC000  }
0x60: {  	[tilespmem:s7], [sflag:$0x1] =	stream.indirect.gather [hbm4b:s2+s6], $0x80, s15, s6, $0xb8;
	[tilespmem:$0x10400] =	vst v63  }
0x61: {  	_ =	swait.ge [sflag:s13], $0x4000  }
0x62: {  	[sflag:s13] =	ssyncset.done $0x0  }
0x63: {  	[sflag:s13] =	ssyncadd.s32 $0xFFFFC000  }
0x64: {  	[hbm4b:s16+s3] =	stream.linear.scatter [tilespmem:s8], [sflag:$0x2], $0x4000, $0x38;
	[tilespmem:$0x10400] =	vst v63  }
0x65: {  	_ =	swait.ge [sflag:s4], $0x4000  }
0x66: {  	[sflag:s4] =	ssyncset.done $0x0  }
0x67: {  	[sflag:s4] =	ssyncadd.s32 $0xFFFFC000  }
0x68: {  	[tilespmem:s8], [sflag:$0x1] =	stream.indirect.gather [hbm4b:s2+s6], $0x80, s17, s6, $0xb8;
	[tilespmem:$0x10400] =	vst v63  }
0x69: {  	_ =	swait.ge [sflag:s13], $0x4000  }
0x6a: {  	[sflag:s13] =	ssyncset.done $0x0  }
0x6b: {  	[sflag:s13] =	ssyncadd.s32 $0xFFFFC000  }
0x6c: {  	[hbm4b:s18+s3] =	stream.linear.scatter [tilespmem:s10], [sflag:$0x2], $0x4000, $0x38;
	[tilespmem:$0x10400] =	vst v63  }
0x6d: {  	_ =	swait.ge [sflag:s4], $0x4000  }
0x6e: {  	[sflag:s4] =	ssyncset.done $0x0  }
0x6f: {  	[sflag:s4] =	ssyncadd.s32 $0xFFFFC000  }
0x70: {  	[tilespmem:s10], [sflag:$0x1] =	stream.indirect.gather [hbm4b:s2+s6], $0x80, s19, s6, $0xb8;
	[tilespmem:$0x10400] =	vst v63  }
0x71: {  	_ =	swait.ge [sflag:s13], $0x4000  }
0x72: {  	[sflag:s13] =	ssyncset.done $0x0  }
0x73: {  	[sflag:s13] =	ssyncadd.s32 $0xFFFFC000  }
0x74: {  	[hbm4b:s20+s3] =	stream.linear.scatter [tilespmem:s12], [sflag:$0x2], $0x4000, $0x38;
	[tilespmem:$0x10400] =	vst v63  }
0x75: {  	_ =	swait.ge [sflag:s4], $0x4000  }
0x76: {  	[sflag:s4] =	ssyncset.done $0x0  }
0x77: {  	[sflag:s4] =	ssyncadd.s32 $0xFFFFC000  }
0x78: {  	[tilespmem:s12], [sflag:$0x1] =	stream.indirect.gather [hbm4b:s2+s6], $0x80, s21, s6, $0xb8;
	[tilespmem:$0x10400] =	vst v63  }
0x79: {  	_ =	swait.ge [sflag:s13], $0x4000  }
0x7a: {  	[sflag:s13] =	ssyncset.done $0x0  }
0x7b: {  	[sflag:s13] =	ssyncadd.s32 $0xFFFFC000  }
0x7c: {  	[hbm4b:s22+s3] =	stream.linear.scatter [tilespmem:s7], [sflag:$0x2], $0x4000, $0x38;
	[tilespmem:$0x10400] =	vst v63  }
0x7d: {  	_ =	swait.ge [sflag:s4], $0x4000  }
0x7e: {  	[sflag:s4] =	ssyncset.done $0x0  }
0x7f: {  	[sflag:s4] =	ssyncadd.s32 $0xFFFFC000  }
0x80: {  	_ =	swait.ge [sflag:s13], $0x4000  }
0x81: {  	[sflag:s13] =	ssyncset.done $0x0  }
0x82: {  	[sflag:s13] =	ssyncadd.s32 $0xFFFFC000  }
0x83: {  	[hbm4b:s23+s3] =	stream.linear.scatter [tilespmem:s8], [sflag:$0x2], $0x4000, $0x38;
	[tilespmem:$0x10400] =	vst v63  }
0x84: {  	_ =	swait.ge [sflag:s4], $0x4000  }
0x85: {  	[sflag:s4] =	ssyncset.done $0x0  }
0x86: {  	[sflag:s4] =	ssyncadd.s32 $0xFFFFC000  }
0x87: {  	_ =	swait.ge [sflag:s13], $0x4000  }
0x88: {  	[sflag:s13] =	ssyncset.done $0x0  }
0x89: {  	[sflag:s13] =	ssyncadd.s32 $0xFFFFC000  }
0x8a: {  	[hbm4b:s24+s3] =	stream.linear.scatter [tilespmem:s10], [sflag:$0x2], $0x4000, $0x38;
	[tilespmem:$0x10400] =	vst v63  }
0x8b: {  	_ =	swait.ge [sflag:s4], $0x4000  }
0x8c: {  	[sflag:s4] =	ssyncset.done $0x0  }
0x8d: {  	[sflag:s4] =	ssyncadd.s32 $0xFFFFC000  }
0x8e: {  	_ =	swait.ge [sflag:s13], $0x4000  }
.Ltmp1:
0x8f: {  	[sflag:s13] =	ssyncset.done $0x0;
	(pc) =	sbr.rel @p0 .LBB2_1-.Ltmp1, $4  }
0x90: {  	[sflag:s13] =	ssyncadd.s32 $0xFFFFC000  }
0x91: {  	[hbm4b:s25+s3] =	stream.linear.scatter [tilespmem:s12], [sflag:$0x2], $0x4000, $0x38;
	[tilespmem:$0x10400] =	vst v63  }
0x92: {  	_ =	swait.ge [sflag:s4], $0x4000  }
0x93: {  	[sflag:s4] =	ssyncset.done $0x0  }
.LBB2_2:
0x94: {  	[sflag:s4] =	ssyncadd.s32 $0xFFFFC000  }
0x95: {  	_ =	sfence.sel $0x180000  }
0x96: {  	[bflag:$0x0] =	sbarrier.arrive $0xFFFF  }
0x97: {  	p0 =	sne.s32 s0, $0x0;
	_ =	strace $0x90000047  }
0x98: {  	s0 =	sadd.s32 @!p0 $0x100000, s1;
	[bflag:$0x2] =	sbarrier.arrive $0xFFFF  }
0x99: {  	[sflag:s0] =	ssyncadd.tile.s32 @!p0 $0x1;
	_ =	shalt  }
.Lfunc_end2:
_tile_overlayer_lowered:
.L_overlay_start_2:
0x9a: {  	(tag) =	ssettag $0x2  }
0x9b: {  	s0 =	rddreg [dreg:$0x0];
	s2 =	stileid.u32  }
0x9c: {  	s1 =	rddreg [dreg:$0x1];
	p0 =	sne.s32 s2, $0x0  }
0x9d: {  	s3 =	rddreg [dreg:$0x2];
	[bflag:$0x3] =	sbarrier.arrive $0xFFFF;
	s2 =	simm.s32 @!p0 $0x1C02  }
0x9e: {  	[timem:s3], [sflag:s2] =	dma.local @!p0 [hbm:s0], s1  }
0x9f: {  	s0 =	simm.s32 @!p0 $0x2  }
0xa0: {  	_ =	swait.ge @!p0 [sflag:s0], s1  }
0xa1: {  	s1 =	ssub.s32 @!p0 $0x0, s1;
	[sflag:s0] =	ssyncset.done @!p0 $0x0  }
0xa2: {  	[sflag:s0] =	ssyncadd.s32 @!p0 s1  }
0xa3: {  	[bflag:$0x3] =	sbarrier.arrive $0xFFFF  }
0xa4: {  	_ =	shalt  }

</sc_bundles>
